<compile_context>
chip_gen: v7x
topology: tpu7x:2x2x1
jax: 0.10.2.dev20260603
libtpu: 0.0.44.dev20260713+nightly
codegen_flags: <defaults>
</compile_context>

<pallas_src>
import functools

import jax
import jax.numpy as jnp
from jax import lax
from jax.experimental import pallas as pl
from jax.experimental.pallas import tpu as pltpu
from jax.experimental.pallas import tpu_sc as plsc


def _sc_dims():
    try:
        info = plsc.get_sparse_core_info()
        return info.num_cores, info.num_subcores
    except Exception:
        return 2, 16


def _sc_gather_rows(tab, ids, *, chunk, nbuf=3):
    n_tok, h = ids.shape[0], tab.shape[1]
    nc, ns = _sc_dims()
    nw = nc * ns
    assert n_tok % (nw * chunk) == 0
    per_w = n_tok // nw
    n_chunks = per_w // chunk
    mesh = plsc.VectorSubcoreMesh(core_axis_name="c", subcore_axis_name="s")

    @functools.partial(
        pl.kernel,
        mesh=mesh,
        out_type=jax.ShapeDtypeStruct((n_tok, h), tab.dtype),
        scratch_types=(
            [pltpu.VMEM((per_w,), jnp.int32)]
            + [pltpu.VMEM((chunk, h), tab.dtype) for _ in range(nbuf)]
            + [pltpu.SemaphoreType.DMA for _ in range(2 * nbuf)]
        ),
    )
    def k(tab_hbm, ids_hbm, out_hbm, idx_v, *rest):
        bufs, sems = rest[:nbuf], rest[nbuf:]
        gsem, wsem = sems[:nbuf], sems[nbuf:]
        wid = lax.axis_index("s") * nc + lax.axis_index("c")
        base = wid * per_w
        pltpu.sync_copy(ids_hbm.at[pl.ds(base, per_w)], idx_v)

        def gstart(c):
            return pltpu.async_copy(
                tab_hbm.at[idx_v.at[pl.ds(c * chunk, chunk)]],
                bufs[c % nbuf], gsem[c % nbuf])

        g = [None] * n_chunks
        w = [None] * n_chunks
        for c in range(min(nbuf - 1, n_chunks)):
            g[c] = gstart(c)
        for c in range(n_chunks):
            g[c].wait()
            w[c] = pltpu.async_copy(
                bufs[c % nbuf], out_hbm.at[pl.ds(base + c * chunk, chunk)],
                wsem[c % nbuf])
            nxt = c + nbuf - 1
            if nxt < n_chunks:
                if nxt >= nbuf:
                    w[nxt - nbuf].wait()
                g[nxt] = gstart(nxt)
        for c in range(max(0, n_chunks - nbuf), n_chunks):
            w[c].wait()

    return k(tab, ids)


def _tc_body(t_blk, h, w_ref, mt_ref, bert_ref, tid_ref, lid_ref, emb_ref,
             *rest):
    out_ref = rest[-1]
    bert_bf = bert_ref[0].astype(jnp.bfloat16)
    acc = jnp.dot(w_ref[...], bert_bf, preferred_element_type=jnp.float32)
    iota = lax.broadcasted_iota(jnp.int32, (128, t_blk), 0)
    oh = ((iota == tid_ref[0]) | (iota == lid_ref[0] + 16))
    acc = acc + jnp.dot(mt_ref[...], oh.astype(jnp.bfloat16),
                        preferred_element_type=jnp.float32)
    raw = emb_ref[...]
    lo = lax.bitcast_convert_type(raw << 16, jnp.float32)
    hi = lax.bitcast_convert_type(raw & jnp.int32(-65536), jnp.float32)
    out_ref[0, : h // 2, :] = acc[: h // 2, :] + lo.T
    out_ref[0, h // 2 :, :] = acc[h // 2 :, :] + hi.T


def _tc_proj_add(w_bf, mt_bf, bert, tids3, lids3, emb, *, t_blk,
                 b_off, nb, prev=None):
    b, d, t = bert.shape
    h = w_bf.shape[0]
    nt = t // t_blk
    grid = (nb, nt)
    in_specs = [
        pl.BlockSpec((h, d), lambda i, j: (0, 0)),
        pl.BlockSpec((h, 128), lambda i, j: (0, 0)),
        pl.BlockSpec((1, d, t_blk), lambda i, j: (b_off + i, 0, j)),
        pl.BlockSpec((1, 1, t_blk), lambda i, j: (b_off + i, 0, j)),
        pl.BlockSpec((1, 1, t_blk), lambda i, j: (b_off + i, 0, j)),
        pl.BlockSpec((t_blk, h // 2), lambda i, j: (i * nt + j, 0)),
    ]
    args = [w_bf, mt_bf, bert, tids3, lids3, emb]
    aliases = {}
    if prev is not None:
        in_specs.append(pl.BlockSpec(memory_space=pl.ANY))
        args.append(prev)
        aliases = {6: 0}
    return pl.pallas_call(
        functools.partial(_tc_body, t_blk, h),
        grid=grid,
        in_specs=in_specs,
        out_specs=pl.BlockSpec((1, h, t_blk), lambda i, j: (b_off + i, 0, j)),
        out_shape=jax.ShapeDtypeStruct((b, h, t), jnp.float32),
        input_output_aliases=aliases,
        compiler_params=pltpu.CompilerParams(
            dimension_semantics=("parallel", "parallel")),
    )(*args)


def kernel(phoneme_ids, tone_ids, language_ids, bert_feats,
           phoneme_table, tone_table, language_table, W_bert):
    b, t = phoneme_ids.shape
    h = phoneme_table.shape[1]
    n = b * t
    pids = phoneme_ids.reshape(n).astype(jnp.int32)
    tids3 = tone_ids.reshape(b, 1, t).astype(jnp.int32)
    lids3 = language_ids.reshape(b, 1, t).astype(jnp.int32)

    n_tone, n_lang = tone_table.shape[0], language_table.shape[0]
    mt = jnp.zeros((128, h), jnp.float32)
    mt = mt.at[:n_tone].set(tone_table).at[16:16 + n_lang].set(language_table)
    mt_bf = mt.T.astype(jnp.bfloat16)
    w_bf = W_bert.astype(jnp.bfloat16)

    pb = phoneme_table.astype(jnp.bfloat16)
    lo16 = lax.bitcast_convert_type(pb[:, : h // 2], jnp.uint16)
    hi16 = lax.bitcast_convert_type(pb[:, h // 2 :], jnp.uint16)
    ptab_pack = lo16.astype(jnp.int32) | (hi16.astype(jnp.int32) << 16)

    slice_sizes = (6, 10)
    out = None
    b_off = 0
    for bs in slice_sizes:
        ns = bs * t
        pids_s = lax.slice(pids, (b_off * t,), (b_off * t + ns,))
        emb_s = _sc_gather_rows(ptab_pack, pids_s, chunk=64)
        out = _tc_proj_add(w_bf, mt_bf, bert_feats, tids3, lids3, emb_s,
                           t_blk=1024, b_off=b_off, nb=bs, prev=out)
        b_off += bs
    return out

# --- scband reference (transcript-rebuilt; emitter-appended) ---
"""Pipeline reference for scband-text-input-embedding-18760417149566 (READ-ONLY COPY).

The authoritative reference and input builder live on the scoring server;
editing this copy changes nothing except your own understanding.
"""

import jax, jax.numpy as jnp
import numpy as np

B, T, H, D_BERT = 16, 2048, 512, 1024
NUM_PHONEMES, NUM_TONES, NUM_LANGUAGES = 512, 16, 8

def setup_inputs(seed: int = 0) -> dict:
    key = jax.random.key(seed)
    k1, k2, k3, k4, k5, k6, k7, k8 = jax.random.split(key, 8)
    phoneme_ids = jax.random.randint(k1, (B, T), 0, NUM_PHONEMES, dtype=jnp.int64 if jax.config.jax_enable_x64 else jnp.int32)
    tone_ids = jax.random.randint(k2, (B, T), 0, NUM_TONES, dtype=jnp.int64 if jax.config.jax_enable_x64 else jnp.int32)
    language_ids = jax.random.randint(k3, (B, T), 0, NUM_LANGUAGES, dtype=jnp.int64 if jax.config.jax_enable_x64 else jnp.int32)
    bert_feats = jax.random.normal(k4, (B, D_BERT, T), dtype=jnp.float32)
    # learned parameters
    phoneme_table = jax.random.normal(k5, (NUM_PHONEMES, H), dtype=jnp.float32)
    tone_table = jax.random.normal(k6, (NUM_TONES, H), dtype=jnp.float32)
    language_table = jax.random.normal(k7, (NUM_LANGUAGES, H), dtype=jnp.float32)
    W_bert = jax.random.normal(k8, (H, D_BERT), dtype=jnp.float32) * (1.0 / np.sqrt(D_BERT))
    return {
        "phoneme_ids": phoneme_ids,
        "tone_ids": tone_ids,
        "language_ids": language_ids,
        "bert_feats": bert_feats,
        "phoneme_table": phoneme_table,
        "tone_table": tone_table,
        "language_table": language_table,
        "W_bert": W_bert,
    }

def reference(phoneme_ids, tone_ids, language_ids, bert_feats, phoneme_table, tone_table, language_table, W_bert):
    # embedding lookups (gather)
    phoneme_emb = jnp.take(phoneme_table, phoneme_ids, axis=0)       # [B, T, H]
    tone_emb = jnp.take(tone_table, tone_ids, axis=0)                # [B, T, H]
    language_emb = jnp.take(language_table, language_ids, axis=0)    # [B, T, H]
    # bert projection: transpose [B, D_bert, T] -> [B, T, D_bert], then Linear (no bias)
    bert_t = jnp.swapaxes(bert_feats, 1, 2)                          # [B, T, D_bert]
    bert_emb = jnp.einsum('btd,hd->bth', bert_t, W_bert)             # [B, T, H]
    x = phoneme_emb + tone_emb + language_emb + bert_emb             # [B, T, H]
    x = jnp.swapaxes(x, 1, 2)                                        # [B, H, T]
    return x

if __name__ == "__main__":
    import jax
    _d = setup_inputs()
    print(jax.jit(kernel)(*tuple(_d.values())))

</pallas_src>

<mosaic_0001>
#map = affine_map<(d0, d1) -> (0, 0)>
#map1 = affine_map<(d0, d1) -> (0)>
module attributes {stable_mosaic.version = 14 : i64} {
  func.func @k(%arg0: i32, %arg1: i32, %arg2: memref<512x256xi32, #tpu.memory_space<hbm>>, %arg3: memref<20480xi32, #tpu.memory_space<hbm>>, %arg4: memref<20480x256xi32, #tpu.memory_space<hbm>>, %arg5: memref<640xi32, #tpu.memory_space<vmem>>, %arg6: memref<64x256xi32, #tpu.memory_space<vmem>>, %arg7: memref<64x256xi32, #tpu.memory_space<vmem>>, %arg8: memref<64x256xi32, #tpu.memory_space<vmem>>, %arg9: memref<!tpu.dma_semaphore, #tpu.memory_space<semaphore_mem>>, %arg10: memref<!tpu.dma_semaphore, #tpu.memory_space<semaphore_mem>>, %arg11: memref<!tpu.dma_semaphore, #tpu.memory_space<semaphore_mem>>, %arg12: memref<!tpu.dma_semaphore, #tpu.memory_space<semaphore_mem>>, %arg13: memref<!tpu.dma_semaphore, #tpu.memory_space<semaphore_mem>>, %arg14: memref<!tpu.dma_semaphore, #tpu.memory_space<semaphore_mem>>) attributes {dimension_semantics = [#tpu.dimension_semantics<core_parallel>, #tpu.dimension_semantics<subcore_parallel>], iteration_bounds = array<i64: 2, 16>, scalar_prefetch = 0 : i64, scratch_operands = 10 : i64, tpu.core_type = #tpu.core_type<sc_vector_subcore>, window_params = [{transform_indices = #map}, {transform_indices = #map1}, {transform_indices = #map}]} {
    %mul3A = arith.constant 2 : i32
    %mul3A_0 = arith.muli %arg1, %mul3A : i32
    %add3A = arith.addi %mul3A_0, %arg0 : i32
    %mul3A_1 = arith.constant 640 : i32
    %mul3A_2 = arith.muli %add3A, %mul3A_1 : i32
    "tpu.region"() ({
      %run_scoped3A = tpu.sem_alloc : memref<!tpu.dma_semaphore, #tpu.memory_space<semaphore_mem>>
      %dma_start3A_201 = tpu.memref_slice %arg3[%mul3A_2] : memref<20480xi32, #tpu.memory_space<hbm>> -> memref<640xi32, #tpu.memory_space<hbm>>
      %dma_start3A_202 = tpu.memref_slice %arg3[%mul3A_2] : memref<20480xi32, #tpu.memory_space<hbm>> -> memref<640xi32, #tpu.memory_space<hbm>>
      tpu.enqueue_dma source(%dma_start3A_202 : memref<640xi32, #tpu.memory_space<hbm>>) target(%arg5 : memref<640xi32, #tpu.memory_space<vmem>>) target_semaphore(%run_scoped3A : memref<!tpu.dma_semaphore, #tpu.memory_space<semaphore_mem>>)
      %dma_wait3A_203 = tpu.memref_slice %arg3[%mul3A_2] : memref<20480xi32, #tpu.memory_space<hbm>> -> memref<640xi32, #tpu.memory_space<hbm>>
      %dma_wait3A_204 = tpu.memref_slice %arg3[%mul3A_2] : memref<20480xi32, #tpu.memory_space<hbm>> -> memref<640xi32, #tpu.memory_space<hbm>>
      tpu.wait_dma2 semaphore(%run_scoped3A : memref<!tpu.dma_semaphore, #tpu.memory_space<semaphore_mem>>) src(%dma_wait3A_204 : memref<640xi32, #tpu.memory_space<hbm>>) dst(%arg5 : memref<640xi32, #tpu.memory_space<vmem>>)
      tpu.yield
    }) : () -> ()
    %dma_start3A = arith.constant 0 : i32
    %dma_start3A_3 = tpu.memref_slice %arg5[%dma_start3A] : memref<640xi32, #tpu.memory_space<vmem>> -> memref<64xi32, #tpu.memory_space<vmem>>
    %dma_start3A_4 = arith.constant 0 : i32
    %dma_start3A_5 = arith.constant 0 : i32
    %dma_start3A_6 = tpu.memref_slice %arg2[%dma_start3A_4, %dma_start3A_5] : memref<512x256xi32, #tpu.memory_space<hbm>> -> memref<512x256xi32, #tpu.memory_space<hbm>>
    tpu.enqueue_indirect_dma source(%dma_start3A_6 : memref<512x256xi32, #tpu.memory_space<hbm>>) target(%arg6 : memref<64x256xi32, #tpu.memory_space<vmem>>) offsets(%dma_start3A_3 : memref<64xi32, #tpu.memory_space<vmem>>) semaphore(%arg9 : memref<!tpu.dma_semaphore, #tpu.memory_space<semaphore_mem>>)
    %dma_start3A_7 = arith.constant 64 : i32
    %dma_start3A_8 = tpu.memref_slice %arg5[%dma_start3A_7] : memref<640xi32, #tpu.memory_space<vmem>> -> memref<64xi32, #tpu.memory_space<vmem>>
    %dma_start3A_9 = arith.constant 0 : i32
    %dma_start3A_10 = arith.constant 0 : i32
    %dma_start3A_11 = tpu.memref_slice %arg2[%dma_start3A_9, %dma_start3A_10] : memref<512x256xi32, #tpu.memory_space<hbm>> -> memref<512x256xi32, #tpu.memory_space<hbm>>
    tpu.enqueue_indirect_dma source(%dma_start3A_11 : memref<512x256xi32, #tpu.memory_space<hbm>>) target(%arg7 : memref<64x256xi32, #tpu.memory_space<vmem>>) offsets(%dma_start3A_8 : memref<64xi32, #tpu.memory_space<vmem>>) semaphore(%arg10 : memref<!tpu.dma_semaphore, #tpu.memory_space<semaphore_mem>>)
    %dma_wait3A = arith.constant 0 : i32
    %dma_wait3A_12 = tpu.memref_slice %arg5[%dma_wait3A] : memref<640xi32, #tpu.memory_space<vmem>> -> memref<64xi32, #tpu.memory_space<vmem>>
    %dma_wait3A_13 = arith.constant 0 : i32
    %dma_wait3A_14 = arith.constant 0 : i32
    %dma_wait3A_15 = tpu.memref_slice %arg2[%dma_wait3A_13, %dma_wait3A_14] : memref<512x256xi32, #tpu.memory_space<hbm>> -> memref<512x256xi32, #tpu.memory_space<hbm>>
    tpu.wait_indirect_dma semaphore(%arg9 : memref<!tpu.dma_semaphore, #tpu.memory_space<semaphore_mem>>) src(%dma_wait3A_15 : memref<512x256xi32, #tpu.memory_space<hbm>>) dst(%arg6 : memref<64x256xi32, #tpu.memory_space<vmem>>)
    %add3A_16 = arith.constant 0 : i32
    %add3A_17 = arith.addi %mul3A_2, %add3A_16 : i32
    %dma_start3A_18 = arith.constant 0 : i32
    %dma_start3A_19 = tpu.memref_slice %arg4[%add3A_17, %dma_start3A_18] : memref<20480x256xi32, #tpu.memory_space<hbm>> -> memref<64x256xi32, #tpu.memory_space<hbm>>
    %dma_start3A_20 = arith.constant 0 : i32
    %dma_start3A_21 = tpu.memref_slice %arg4[%add3A_17, %dma_start3A_20] : memref<20480x256xi32, #tpu.memory_space<hbm>> -> memref<64x256xi32, #tpu.memory_space<hbm>>
    tpu.enqueue_dma source(%arg6 : memref<64x256xi32, #tpu.memory_space<vmem>>) target(%dma_start3A_21 : memref<64x256xi32, #tpu.memory_space<hbm>>) target_semaphore(%arg12 : memref<!tpu.dma_semaphore, #tpu.memory_space<semaphore_mem>>)
    %dma_start3A_22 = arith.constant 128 : i32
    %dma_start3A_23 = tpu.memref_slice %arg5[%dma_start3A_22] : memref<640xi32, #tpu.memory_space<vmem>> -> memref<64xi32, #tpu.memory_space<vmem>>
    %dma_start3A_24 = arith.constant 0 : i32
    %dma_start3A_25 = arith.constant 0 : i32
    %dma_start3A_26 = tpu.memref_slice %arg2[%dma_start3A_24, %dma_start3A_25] : memref<512x256xi32, #tpu.memory_space<hbm>> -> memref<512x256xi32, #tpu.memory_space<hbm>>
    tpu.enqueue_indirect_dma source(%dma_start3A_26 : memref<512x256xi32, #tpu.memory_space<hbm>>) target(%arg8 : memref<64x256xi32, #tpu.memory_space<vmem>>) offsets(%dma_start3A_23 : memref<64xi32, #tpu.memory_space<vmem>>) semaphore(%arg11 : memref<!tpu.dma_semaphore, #tpu.memory_space<semaphore_mem>>)
    %dma_wait3A_27 = arith.constant 64 : i32
    %dma_wait3A_28 = tpu.memref_slice %arg5[%dma_wait3A_27] : memref<640xi32, #tpu.memory_space<vmem>> -> memref<64xi32, #tpu.memory_space<vmem>>
    %dma_wait3A_29 = arith.constant 0 : i32
    %dma_wait3A_30 = arith.constant 0 : i32
    %dma_wait3A_31 = tpu.memref_slice %arg2[%dma_wait3A_29, %dma_wait3A_30] : memref<512x256xi32, #tpu.memory_space<hbm>> -> memref<512x256xi32, #tpu.memory_space<hbm>>
    tpu.wait_indirect_dma semaphore(%arg10 : memref<!tpu.dma_semaphore, #tpu.memory_space<semaphore_mem>>) src(%dma_wait3A_31 : memref<512x256xi32, #tpu.memory_space<hbm>>) dst(%arg7 : memref<64x256xi32, #tpu.memory_space<vmem>>)
    %add3A_32 = arith.constant 64 : i32
    %add3A_33 = arith.addi %mul3A_2, %add3A_32 : i32
    %dma_start3A_34 = arith.constant 0 : i32
    %dma_start3A_35 = tpu.memref_slice %arg4[%add3A_33, %dma_start3A_34] : memref<20480x256xi32, #tpu.memory_space<hbm>> -> memref<64x256xi32, #tpu.memory_space<hbm>>
    %dma_start3A_36 = arith.constant 0 : i32
    %dma_start3A_37 = tpu.memref_slice %arg4[%add3A_33, %dma_start3A_36] : memref<20480x256xi32, #tpu.memory_space<hbm>> -> memref<64x256xi32, #tpu.memory_space<hbm>>
    tpu.enqueue_dma source(%arg7 : memref<64x256xi32, #tpu.memory_space<vmem>>) target(%dma_start3A_37 : memref<64x256xi32, #tpu.memory_space<hbm>>) target_semaphore(%arg13 : memref<!tpu.dma_semaphore, #tpu.memory_space<semaphore_mem>>)
    %dma_wait3A_38 = arith.constant 0 : i32
    %dma_wait3A_39 = tpu.memref_slice %arg4[%add3A_17, %dma_wait3A_38] : memref<20480x256xi32, #tpu.memory_space<hbm>> -> memref<64x256xi32, #tpu.memory_space<hbm>>
    %dma_wait3A_40 = arith.constant 0 : i32
    %dma_wait3A_41 = tpu.memref_slice %arg4[%add3A_17, %dma_wait3A_40] : memref<20480x256xi32, #tpu.memory_space<hbm>> -> memref<64x256xi32, #tpu.memory_space<hbm>>
    tpu.wait_dma2 semaphore(%arg12 : memref<!tpu.dma_semaphore, #tpu.memory_space<semaphore_mem>>) src(%arg6 : memref<64x256xi32, #tpu.memory_space<vmem>>) dst(%dma_wait3A_41 : memref<64x256xi32, #tpu.memory_space<hbm>>)
    %dma_start3A_42 = arith.constant 192 : i32
    %dma_start3A_43 = tpu.memref_slice %arg5[%dma_start3A_42] : memref<640xi32, #tpu.memory_space<vmem>> -> memref<64xi32, #tpu.memory_space<vmem>>
    %dma_start3A_44 = arith.constant 0 : i32
    %dma_start3A_45 = arith.constant 0 : i32
    %dma_start3A_46 = tpu.memref_slice %arg2[%dma_start3A_44, %dma_start3A_45] : memref<512x256xi32, #tpu.memory_space<hbm>> -> memref<512x256xi32, #tpu.memory_space<hbm>>
    tpu.enqueue_indirect_dma source(%dma_start3A_46 : memref<512x256xi32, #tpu.memory_space<hbm>>) target(%arg6 : memref<64x256xi32, #tpu.memory_space<vmem>>) offsets(%dma_start3A_43 : memref<64xi32, #tpu.memory_space<vmem>>) semaphore(%arg9 : memref<!tpu.dma_semaphore, #tpu.memory_space<semaphore_mem>>)
    %dma_wait3A_47 = arith.constant 128 : i32
    %dma_wait3A_48 = tpu.memref_slice %arg5[%dma_wait3A_47] : memref<640xi32, #tpu.memory_space<vmem>> -> memref<64xi32, #tpu.memory_space<vmem>>
    %dma_wait3A_49 = arith.constant 0 : i32
    %dma_wait3A_50 = arith.constant 0 : i32
    %dma_wait3A_51 = tpu.memref_slice %arg2[%dma_wait3A_49, %dma_wait3A_50] : memref<512x256xi32, #tpu.memory_space<hbm>> -> memref<512x256xi32, #tpu.memory_space<hbm>>
    tpu.wait_indirect_dma semaphore(%arg11 : memref<!tpu.dma_semaphore, #tpu.memory_space<semaphore_mem>>) src(%dma_wait3A_51 : memref<512x256xi32, #tpu.memory_space<hbm>>) dst(%arg8 : memref<64x256xi32, #tpu.memory_space<vmem>>)
    %add3A_52 = arith.constant 128 : i32
    %add3A_53 = arith.addi %mul3A_2, %add3A_52 : i32
    %dma_start3A_54 = arith.constant 0 : i32
    %dma_start3A_55 = tpu.memref_slice %arg4[%add3A_53, %dma_start3A_54] : memref<20480x256xi32, #tpu.memory_space<hbm>> -> memref<64x256xi32, #tpu.memory_space<hbm>>
    %dma_start3A_56 = arith.constant 0 : i32
    %dma_start3A_57 = tpu.memref_slice %arg4[%add3A_53, %dma_start3A_56] : memref<20480x256xi32, #tpu.memory_space<hbm>> -> memref<64x256xi32, #tpu.memory_space<hbm>>
    tpu.enqueue_dma source(%arg8 : memref<64x256xi32, #tpu.memory_space<vmem>>) target(%dma_start3A_57 : memref<64x256xi32, #tpu.memory_space<hbm>>) target_semaphore(%arg14 : memref<!tpu.dma_semaphore, #tpu.memory_space<semaphore_mem>>)
    %dma_wait3A_58 = arith.constant 0 : i32
    %dma_wait3A_59 = tpu.memref_slice %arg4[%add3A_33, %dma_wait3A_58] : memref<20480x256xi32, #tpu.memory_space<hbm>> -> memref<64x256xi32, #tpu.memory_space<hbm>>
    %dma_wait3A_60 = arith.constant 0 : i32
    %dma_wait3A_61 = tpu.memref_slice %arg4[%add3A_33, %dma_wait3A_60] : memref<20480x256xi32, #tpu.memory_space<hbm>> -> memref<64x256xi32, #tpu.memory_space<hbm>>
    tpu.wait_dma2 semaphore(%arg13 : memref<!tpu.dma_semaphore, #tpu.memory_space<semaphore_mem>>) src(%arg7 : memref<64x256xi32, #tpu.memory_space<vmem>>) dst(%dma_wait3A_61 : memref<64x256xi32, #tpu.memory_space<hbm>>)
    %dma_start3A_62 = arith.constant 256 : i32
    %dma_start3A_63 = tpu.memref_slice %arg5[%dma_start3A_62] : memref<640xi32, #tpu.memory_space<vmem>> -> memref<64xi32, #tpu.memory_space<vmem>>
    %dma_start3A_64 = arith.constant 0 : i32
    %dma_start3A_65 = arith.constant 0 : i32
    %dma_start3A_66 = tpu.memref_slice %arg2[%dma_start3A_64, %dma_start3A_65] : memref<512x256xi32, #tpu.memory_space<hbm>> -> memref<512x256xi32, #tpu.memory_space<hbm>>
    tpu.enqueue_indirect_dma source(%dma_start3A_66 : memref<512x256xi32, #tpu.memory_space<hbm>>) target(%arg7 : memref<64x256xi32, #tpu.memory_space<vmem>>) offsets(%dma_start3A_63 : memref<64xi32, #tpu.memory_space<vmem>>) semaphore(%arg10 : memref<!tpu.dma_semaphore, #tpu.memory_space<semaphore_mem>>)
    %dma_wait3A_67 = arith.constant 192 : i32
    %dma_wait3A_68 = tpu.memref_slice %arg5[%dma_wait3A_67] : memref<640xi32, #tpu.memory_space<vmem>> -> memref<64xi32, #tpu.memory_space<vmem>>
    %dma_wait3A_69 = arith.constant 0 : i32
    %dma_wait3A_70 = arith.constant 0 : i32
    %dma_wait3A_71 = tpu.memref_slice %arg2[%dma_wait3A_69, %dma_wait3A_70] : memref<512x256xi32, #tpu.memory_space<hbm>> -> memref<512x256xi32, #tpu.memory_space<hbm>>
    tpu.wait_indirect_dma semaphore(%arg9 : memref<!tpu.dma_semaphore, #tpu.memory_space<semaphore_mem>>) src(%dma_wait3A_71 : memref<512x256xi32, #tpu.memory_space<hbm>>) dst(%arg6 : memref<64x256xi32, #tpu.memory_space<vmem>>)
    %add3A_72 = arith.constant 192 : i32
    %add3A_73 = arith.addi %mul3A_2, %add3A_72 : i32
    %dma_start3A_74 = arith.constant 0 : i32
    %dma_start3A_75 = tpu.memref_slice %arg4[%add3A_73, %dma_start3A_74] : memref<20480x256xi32, #tpu.memory_space<hbm>> -> memref<64x256xi32, #tpu.memory_space<hbm>>
    %dma_start3A_76 = arith.constant 0 : i32
    %dma_start3A_77 = tpu.memref_slice %arg4[%add3A_73, %dma_start3A_76] : memref<20480x256xi32, #tpu.memory_space<hbm>> -> memref<64x256xi32, #tpu.memory_space<hbm>>
    tpu.enqueue_dma source(%arg6 : memref<64x256xi32, #tpu.memory_space<vmem>>) target(%dma_start3A_77 : memref<64x256xi32, #tpu.memory_space<hbm>>) target_semaphore(%arg12 : memref<!tpu.dma_semaphore, #tpu.memory_space<semaphore_mem>>)
    %dma_wait3A_78 = arith.constant 0 : i32
    %dma_wait3A_79 = tpu.memref_slice %arg4[%add3A_53, %dma_wait3A_78] : memref<20480x256xi32, #tpu.memory_space<hbm>> -> memref<64x256xi32, #tpu.memory_space<hbm>>
    %dma_wait3A_80 = arith.constant 0 : i32
    %dma_wait3A_81 = tpu.memref_slice %arg4[%add3A_53, %dma_wait3A_80] : memref<20480x256xi32, #tpu.memory_space<hbm>> -> memref<64x256xi32, #tpu.memory_space<hbm>>
    tpu.wait_dma2 semaphore(%arg14 : memref<!tpu.dma_semaphore, #tpu.memory_space<semaphore_mem>>) src(%arg8 : memref<64x256xi32, #tpu.memory_space<vmem>>) dst(%dma_wait3A_81 : memref<64x256xi32, #tpu.memory_space<hbm>>)
    %dma_start3A_82 = arith.constant 320 : i32
    %dma_start3A_83 = tpu.memref_slice %arg5[%dma_start3A_82] : memref<640xi32, #tpu.memory_space<vmem>> -> memref<64xi32, #tpu.memory_space<vmem>>
    %dma_start3A_84 = arith.constant 0 : i32
    %dma_start3A_85 = arith.constant 0 : i32
    %dma_start3A_86 = tpu.memref_slice %arg2[%dma_start3A_84, %dma_start3A_85] : memref<512x256xi32, #tpu.memory_space<hbm>> -> memref<512x256xi32, #tpu.memory_space<hbm>>
    tpu.enqueue_indirect_dma source(%dma_start3A_86 : memref<512x256xi32, #tpu.memory_space<hbm>>) target(%arg8 : memref<64x256xi32, #tpu.memory_space<vmem>>) offsets(%dma_start3A_83 : memref<64xi32, #tpu.memory_space<vmem>>) semaphore(%arg11 : memref<!tpu.dma_semaphore, #tpu.memory_space<semaphore_mem>>)
    %dma_wait3A_87 = arith.constant 256 : i32
    %dma_wait3A_88 = tpu.memref_slice %arg5[%dma_wait3A_87] : memref<640xi32, #tpu.memory_space<vmem>> -> memref<64xi32, #tpu.memory_space<vmem>>
    %dma_wait3A_89 = arith.constant 0 : i32
    %dma_wait3A_90 = arith.constant 0 : i32
    %dma_wait3A_91 = tpu.memref_slice %arg2[%dma_wait3A_89, %dma_wait3A_90] : memref<512x256xi32, #tpu.memory_space<hbm>> -> memref<512x256xi32, #tpu.memory_space<hbm>>
    tpu.wait_indirect_dma semaphore(%arg10 : memref<!tpu.dma_semaphore, #tpu.memory_space<semaphore_mem>>) src(%dma_wait3A_91 : memref<512x256xi32, #tpu.memory_space<hbm>>) dst(%arg7 : memref<64x256xi32, #tpu.memory_space<vmem>>)
    %add3A_92 = arith.constant 256 : i32
    %add3A_93 = arith.addi %mul3A_2, %add3A_92 : i32
    %dma_start3A_94 = arith.constant 0 : i32
    %dma_start3A_95 = tpu.memref_slice %arg4[%add3A_93, %dma_start3A_94] : memref<20480x256xi32, #tpu.memory_space<hbm>> -> memref<64x256xi32, #tpu.memory_space<hbm>>
    %dma_start3A_96 = arith.constant 0 : i32
    %dma_start3A_97 = tpu.memref_slice %arg4[%add3A_93, %dma_start3A_96] : memref<20480x256xi32, #tpu.memory_space<hbm>> -> memref<64x256xi32, #tpu.memory_space<hbm>>
    tpu.enqueue_dma source(%arg7 : memref<64x256xi32, #tpu.memory_space<vmem>>) target(%dma_start3A_97 : memref<64x256xi32, #tpu.memory_space<hbm>>) target_semaphore(%arg13 : memref<!tpu.dma_semaphore, #tpu.memory_space<semaphore_mem>>)
    %dma_wait3A_98 = arith.constant 0 : i32
    %dma_wait3A_99 = tpu.memref_slice %arg4[%add3A_73, %dma_wait3A_98] : memref<20480x256xi32, #tpu.memory_space<hbm>> -> memref<64x256xi32, #tpu.memory_space<hbm>>
    %dma_wait3A_100 = arith.constant 0 : i32
    %dma_wait3A_101 = tpu.memref_slice %arg4[%add3A_73, %dma_wait3A_100] : memref<20480x256xi32, #tpu.memory_space<hbm>> -> memref<64x256xi32, #tpu.memory_space<hbm>>
    tpu.wait_dma2 semaphore(%arg12 : memref<!tpu.dma_semaphore, #tpu.memory_space<semaphore_mem>>) src(%arg6 : memref<64x256xi32, #tpu.memory_space<vmem>>) dst(%dma_wait3A_101 : memref<64x256xi32, #tpu.memory_space<hbm>>)
    %dma_start3A_102 = arith.constant 384 : i32
    %dma_start3A_103 = tpu.memref_slice %arg5[%dma_start3A_102] : memref<640xi32, #tpu.memory_space<vmem>> -> memref<64xi32, #tpu.memory_space<vmem>>
    %dma_start3A_104 = arith.constant 0 : i32
    %dma_start3A_105 = arith.constant 0 : i32
    %dma_start3A_106 = tpu.memref_slice %arg2[%dma_start3A_104, %dma_start3A_105] : memref<512x256xi32, #tpu.memory_space<hbm>> -> memref<512x256xi32, #tpu.memory_space<hbm>>
    tpu.enqueue_indirect_dma source(%dma_start3A_106 : memref<512x256xi32, #tpu.memory_space<hbm>>) target(%arg6 : memref<64x256xi32, #tpu.memory_space<vmem>>) offsets(%dma_start3A_103 : memref<64xi32, #tpu.memory_space<vmem>>) semaphore(%arg9 : memref<!tpu.dma_semaphore, #tpu.memory_space<semaphore_mem>>)
    %dma_wait3A_107 = arith.constant 320 : i32
    %dma_wait3A_108 = tpu.memref_slice %arg5[%dma_wait3A_107] : memref<640xi32, #tpu.memory_space<vmem>> -> memref<64xi32, #tpu.memory_space<vmem>>
    %dma_wait3A_109 = arith.constant 0 : i32
    %dma_wait3A_110 = arith.constant 0 : i32
    %dma_wait3A_111 = tpu.memref_slice %arg2[%dma_wait3A_109, %dma_wait3A_110] : memref<512x256xi32, #tpu.memory_space<hbm>> -> memref<512x256xi32, #tpu.memory_space<hbm>>
    tpu.wait_indirect_dma semaphore(%arg11 : memref<!tpu.dma_semaphore, #tpu.memory_space<semaphore_mem>>) src(%dma_wait3A_111 : memref<512x256xi32, #tpu.memory_space<hbm>>) dst(%arg8 : memref<64x256xi32, #tpu.memory_space<vmem>>)
    %add3A_112 = arith.constant 320 : i32
    %add3A_113 = arith.addi %mul3A_2, %add3A_112 : i32
    %dma_start3A_114 = arith.constant 0 : i32
    %dma_start3A_115 = tpu.memref_slice %arg4[%add3A_113, %dma_start3A_114] : memref<20480x256xi32, #tpu.memory_space<hbm>> -> memref<64x256xi32, #tpu.memory_space<hbm>>
    %dma_start3A_116 = arith.constant 0 : i32
    %dma_start3A_117 = tpu.memref_slice %arg4[%add3A_113, %dma_start3A_116] : memref<20480x256xi32, #tpu.memory_space<hbm>> -> memref<64x256xi32, #tpu.memory_space<hbm>>
    tpu.enqueue_dma source(%arg8 : memref<64x256xi32, #tpu.memory_space<vmem>>) target(%dma_start3A_117 : memref<64x256xi32, #tpu.memory_space<hbm>>) target_semaphore(%arg14 : memref<!tpu.dma_semaphore, #tpu.memory_space<semaphore_mem>>)
    %dma_wait3A_118 = arith.constant 0 : i32
    %dma_wait3A_119 = tpu.memref_slice %arg4[%add3A_93, %dma_wait3A_118] : memref<20480x256xi32, #tpu.memory_space<hbm>> -> memref<64x256xi32, #tpu.memory_space<hbm>>
    %dma_wait3A_120 = arith.constant 0 : i32
    %dma_wait3A_121 = tpu.memref_slice %arg4[%add3A_93, %dma_wait3A_120] : memref<20480x256xi32, #tpu.memory_space<hbm>> -> memref<64x256xi32, #tpu.memory_space<hbm>>
    tpu.wait_dma2 semaphore(%arg13 : memref<!tpu.dma_semaphore, #tpu.memory_space<semaphore_mem>>) src(%arg7 : memref<64x256xi32, #tpu.memory_space<vmem>>) dst(%dma_wait3A_121 : memref<64x256xi32, #tpu.memory_space<hbm>>)
    %dma_start3A_122 = arith.constant 448 : i32
    %dma_start3A_123 = tpu.memref_slice %arg5[%dma_start3A_122] : memref<640xi32, #tpu.memory_space<vmem>> -> memref<64xi32, #tpu.memory_space<vmem>>
    %dma_start3A_124 = arith.constant 0 : i32
    %dma_start3A_125 = arith.constant 0 : i32
    %dma_start3A_126 = tpu.memref_slice %arg2[%dma_start3A_124, %dma_start3A_125] : memref<512x256xi32, #tpu.memory_space<hbm>> -> memref<512x256xi32, #tpu.memory_space<hbm>>
    tpu.enqueue_indirect_dma source(%dma_start3A_126 : memref<512x256xi32, #tpu.memory_space<hbm>>) target(%arg7 : memref<64x256xi32, #tpu.memory_space<vmem>>) offsets(%dma_start3A_123 : memref<64xi32, #tpu.memory_space<vmem>>) semaphore(%arg10 : memref<!tpu.dma_semaphore, #tpu.memory_space<semaphore_mem>>)
    %dma_wait3A_127 = arith.constant 384 : i32
    %dma_wait3A_128 = tpu.memref_slice %arg5[%dma_wait3A_127] : memref<640xi32, #tpu.memory_space<vmem>> -> memref<64xi32, #tpu.memory_space<vmem>>
    %dma_wait3A_129 = arith.constant 0 : i32
    %dma_wait3A_130 = arith.constant 0 : i32
    %dma_wait3A_131 = tpu.memref_slice %arg2[%dma_wait3A_129, %dma_wait3A_130] : memref<512x256xi32, #tpu.memory_space<hbm>> -> memref<512x256xi32, #tpu.memory_space<hbm>>
    tpu.wait_indirect_dma semaphore(%arg9 : memref<!tpu.dma_semaphore, #tpu.memory_space<semaphore_mem>>) src(%dma_wait3A_131 : memref<512x256xi32, #tpu.memory_space<hbm>>) dst(%arg6 : memref<64x256xi32, #tpu.memory_space<vmem>>)
    %add3A_132 = arith.constant 384 : i32
    %add3A_133 = arith.addi %mul3A_2, %add3A_132 : i32
    %dma_start3A_134 = arith.constant 0 : i32
    %dma_start3A_135 = tpu.memref_slice %arg4[%add3A_133, %dma_start3A_134] : memref<20480x256xi32, #tpu.memory_space<hbm>> -> memref<64x256xi32, #tpu.memory_space<hbm>>
    %dma_start3A_136 = arith.constant 0 : i32
    %dma_start3A_137 = tpu.memref_slice %arg4[%add3A_133, %dma_start3A_136] : memref<20480x256xi32, #tpu.memory_space<hbm>> -> memref<64x256xi32, #tpu.memory_space<hbm>>
    tpu.enqueue_dma source(%arg6 : memref<64x256xi32, #tpu.memory_space<vmem>>) target(%dma_start3A_137 : memref<64x256xi32, #tpu.memory_space<hbm>>) target_semaphore(%arg12 : memref<!tpu.dma_semaphore, #tpu.memory_space<semaphore_mem>>)
    %dma_wait3A_138 = arith.constant 0 : i32
    %dma_wait3A_139 = tpu.memref_slice %arg4[%add3A_113, %dma_wait3A_138] : memref<20480x256xi32, #tpu.memory_space<hbm>> -> memref<64x256xi32, #tpu.memory_space<hbm>>
    %dma_wait3A_140 = arith.constant 0 : i32
    %dma_wait3A_141 = tpu.memref_slice %arg4[%add3A_113, %dma_wait3A_140] : memref<20480x256xi32, #tpu.memory_space<hbm>> -> memref<64x256xi32, #tpu.memory_space<hbm>>
    tpu.wait_dma2 semaphore(%arg14 : memref<!tpu.dma_semaphore, #tpu.memory_space<semaphore_mem>>) src(%arg8 : memref<64x256xi32, #tpu.memory_space<vmem>>) dst(%dma_wait3A_141 : memref<64x256xi32, #tpu.memory_space<hbm>>)
    %dma_start3A_142 = arith.constant 512 : i32
    %dma_start3A_143 = tpu.memref_slice %arg5[%dma_start3A_142] : memref<640xi32, #tpu.memory_space<vmem>> -> memref<64xi32, #tpu.memory_space<vmem>>
    %dma_start3A_144 = arith.constant 0 : i32
    %dma_start3A_145 = arith.constant 0 : i32
    %dma_start3A_146 = tpu.memref_slice %arg2[%dma_start3A_144, %dma_start3A_145] : memref<512x256xi32, #tpu.memory_space<hbm>> -> memref<512x256xi32, #tpu.memory_space<hbm>>
    tpu.enqueue_indirect_dma source(%dma_start3A_146 : memref<512x256xi32, #tpu.memory_space<hbm>>) target(%arg8 : memref<64x256xi32, #tpu.memory_space<vmem>>) offsets(%dma_start3A_143 : memref<64xi32, #tpu.memory_space<vmem>>) semaphore(%arg11 : memref<!tpu.dma_semaphore, #tpu.memory_space<semaphore_mem>>)
    %dma_wait3A_147 = arith.constant 448 : i32
    %dma_wait3A_148 = tpu.memref_slice %arg5[%dma_wait3A_147] : memref<640xi32, #tpu.memory_space<vmem>> -> memref<64xi32, #tpu.memory_space<vmem>>
    %dma_wait3A_149 = arith.constant 0 : i32
    %dma_wait3A_150 = arith.constant 0 : i32
    %dma_wait3A_151 = tpu.memref_slice %arg2[%dma_wait3A_149, %dma_wait3A_150] : memref<512x256xi32, #tpu.memory_space<hbm>> -> memref<512x256xi32, #tpu.memory_space<hbm>>
    tpu.wait_indirect_dma semaphore(%arg10 : memref<!tpu.dma_semaphore, #tpu.memory_space<semaphore_mem>>) src(%dma_wait3A_151 : memref<512x256xi32, #tpu.memory_space<hbm>>) dst(%arg7 : memref<64x256xi32, #tpu.memory_space<vmem>>)
    %add3A_152 = arith.constant 448 : i32
    %add3A_153 = arith.addi %mul3A_2, %add3A_152 : i32
    %dma_start3A_154 = arith.constant 0 : i32
    %dma_start3A_155 = tpu.memref_slice %arg4[%add3A_153, %dma_start3A_154] : memref<20480x256xi32, #tpu.memory_space<hbm>> -> memref<64x256xi32, #tpu.memory_space<hbm>>
    %dma_start3A_156 = arith.constant 0 : i32
    %dma_start3A_157 = tpu.memref_slice %arg4[%add3A_153, %dma_start3A_156] : memref<20480x256xi32, #tpu.memory_space<hbm>> -> memref<64x256xi32, #tpu.memory_space<hbm>>
    tpu.enqueue_dma source(%arg7 : memref<64x256xi32, #tpu.memory_space<vmem>>) target(%dma_start3A_157 : memref<64x256xi32, #tpu.memory_space<hbm>>) target_semaphore(%arg13 : memref<!tpu.dma_semaphore, #tpu.memory_space<semaphore_mem>>)
    %dma_wait3A_158 = arith.constant 0 : i32
    %dma_wait3A_159 = tpu.memref_slice %arg4[%add3A_133, %dma_wait3A_158] : memref<20480x256xi32, #tpu.memory_space<hbm>> -> memref<64x256xi32, #tpu.memory_space<hbm>>
    %dma_wait3A_160 = arith.constant 0 : i32
    %dma_wait3A_161 = tpu.memref_slice %arg4[%add3A_133, %dma_wait3A_160] : memref<20480x256xi32, #tpu.memory_space<hbm>> -> memref<64x256xi32, #tpu.memory_space<hbm>>
    tpu.wait_dma2 semaphore(%arg12 : memref<!tpu.dma_semaphore, #tpu.memory_space<semaphore_mem>>) src(%arg6 : memref<64x256xi32, #tpu.memory_space<vmem>>) dst(%dma_wait3A_161 : memref<64x256xi32, #tpu.memory_space<hbm>>)
    %dma_start3A_162 = arith.constant 576 : i32
    %dma_start3A_163 = tpu.memref_slice %arg5[%dma_start3A_162] : memref<640xi32, #tpu.memory_space<vmem>> -> memref<64xi32, #tpu.memory_space<vmem>>
    %dma_start3A_164 = arith.constant 0 : i32
    %dma_start3A_165 = arith.constant 0 : i32
    %dma_start3A_166 = tpu.memref_slice %arg2[%dma_start3A_164, %dma_start3A_165] : memref<512x256xi32, #tpu.memory_space<hbm>> -> memref<512x256xi32, #tpu.memory_space<hbm>>
    tpu.enqueue_indirect_dma source(%dma_start3A_166 : memref<512x256xi32, #tpu.memory_space<hbm>>) target(%arg6 : memref<64x256xi32, #tpu.memory_space<vmem>>) offsets(%dma_start3A_163 : memref<64xi32, #tpu.memory_space<vmem>>) semaphore(%arg9 : memref<!tpu.dma_semaphore, #tpu.memory_space<semaphore_mem>>)
    %dma_wait3A_167 = arith.constant 512 : i32
    %dma_wait3A_168 = tpu.memref_slice %arg5[%dma_wait3A_167] : memref<640xi32, #tpu.memory_space<vmem>> -> memref<64xi32, #tpu.memory_space<vmem>>
    %dma_wait3A_169 = arith.constant 0 : i32
    %dma_wait3A_170 = arith.constant 0 : i32
    %dma_wait3A_171 = tpu.memref_slice %arg2[%dma_wait3A_169, %dma_wait3A_170] : memref<512x256xi32, #tpu.memory_space<hbm>> -> memref<512x256xi32, #tpu.memory_space<hbm>>
    tpu.wait_indirect_dma semaphore(%arg11 : memref<!tpu.dma_semaphore, #tpu.memory_space<semaphore_mem>>) src(%dma_wait3A_171 : memref<512x256xi32, #tpu.memory_space<hbm>>) dst(%arg8 : memref<64x256xi32, #tpu.memory_space<vmem>>)
    %add3A_172 = arith.constant 512 : i32
    %add3A_173 = arith.addi %mul3A_2, %add3A_172 : i32
    %dma_start3A_174 = arith.constant 0 : i32
    %dma_start3A_175 = tpu.memref_slice %arg4[%add3A_173, %dma_start3A_174] : memref<20480x256xi32, #tpu.memory_space<hbm>> -> memref<64x256xi32, #tpu.memory_space<hbm>>
    %dma_start3A_176 = arith.constant 0 : i32
    %dma_start3A_177 = tpu.memref_slice %arg4[%add3A_173, %dma_start3A_176] : memref<20480x256xi32, #tpu.memory_space<hbm>> -> memref<64x256xi32, #tpu.memory_space<hbm>>
    tpu.enqueue_dma source(%arg8 : memref<64x256xi32, #tpu.memory_space<vmem>>) target(%dma_start3A_177 : memref<64x256xi32, #tpu.memory_space<hbm>>) target_semaphore(%arg14 : memref<!tpu.dma_semaphore, #tpu.memory_space<semaphore_mem>>)
    %dma_wait3A_178 = arith.constant 576 : i32
    %dma_wait3A_179 = tpu.memref_slice %arg5[%dma_wait3A_178] : memref<640xi32, #tpu.memory_space<vmem>> -> memref<64xi32, #tpu.memory_space<vmem>>
    %dma_wait3A_180 = arith.constant 0 : i32
    %dma_wait3A_181 = arith.constant 0 : i32
    %dma_wait3A_182 = tpu.memref_slice %arg2[%dma_wait3A_180, %dma_wait3A_181] : memref<512x256xi32, #tpu.memory_space<hbm>> -> memref<512x256xi32, #tpu.memory_space<hbm>>
    tpu.wait_indirect_dma semaphore(%arg9 : memref<!tpu.dma_semaphore, #tpu.memory_space<semaphore_mem>>) src(%dma_wait3A_182 : memref<512x256xi32, #tpu.memory_space<hbm>>) dst(%arg6 : memref<64x256xi32, #tpu.memory_space<vmem>>)
    %add3A_183 = arith.constant 576 : i32
    %add3A_184 = arith.addi %mul3A_2, %add3A_183 : i32
    %dma_start3A_185 = arith.constant 0 : i32
    %dma_start3A_186 = tpu.memref_slice %arg4[%add3A_184, %dma_start3A_185] : memref<20480x256xi32, #tpu.memory_space<hbm>> -> memref<64x256xi32, #tpu.memory_space<hbm>>
    %dma_start3A_187 = arith.constant 0 : i32
    %dma_start3A_188 = tpu.memref_slice %arg4[%add3A_184, %dma_start3A_187] : memref<20480x256xi32, #tpu.memory_space<hbm>> -> memref<64x256xi32, #tpu.memory_space<hbm>>
    tpu.enqueue_dma source(%arg6 : memref<64x256xi32, #tpu.memory_space<vmem>>) target(%dma_start3A_188 : memref<64x256xi32, #tpu.memory_space<hbm>>) target_semaphore(%arg12 : memref<!tpu.dma_semaphore, #tpu.memory_space<semaphore_mem>>)
    %dma_wait3A_189 = arith.constant 0 : i32
    %dma_wait3A_190 = tpu.memref_slice %arg4[%add3A_153, %dma_wait3A_189] : memref<20480x256xi32, #tpu.memory_space<hbm>> -> memref<64x256xi32, #tpu.memory_space<hbm>>
    %dma_wait3A_191 = arith.constant 0 : i32
    %dma_wait3A_192 = tpu.memref_slice %arg4[%add3A_153, %dma_wait3A_191] : memref<20480x256xi32, #tpu.memory_space<hbm>> -> memref<64x256xi32, #tpu.memory_space<hbm>>
    tpu.wait_dma2 semaphore(%arg13 : memref<!tpu.dma_semaphore, #tpu.memory_space<semaphore_mem>>) src(%arg7 : memref<64x256xi32, #tpu.memory_space<vmem>>) dst(%dma_wait3A_192 : memref<64x256xi32, #tpu.memory_space<hbm>>)
    %dma_wait3A_193 = arith.constant 0 : i32
    %dma_wait3A_194 = tpu.memref_slice %arg4[%add3A_173, %dma_wait3A_193] : memref<20480x256xi32, #tpu.memory_space<hbm>> -> memref<64x256xi32, #tpu.memory_space<hbm>>
    %dma_wait3A_195 = arith.constant 0 : i32
    %dma_wait3A_196 = tpu.memref_slice %arg4[%add3A_173, %dma_wait3A_195] : memref<20480x256xi32, #tpu.memory_space<hbm>> -> memref<64x256xi32, #tpu.memory_space<hbm>>
    tpu.wait_dma2 semaphore(%arg14 : memref<!tpu.dma_semaphore, #tpu.memory_space<semaphore_mem>>) src(%arg8 : memref<64x256xi32, #tpu.memory_space<vmem>>) dst(%dma_wait3A_196 : memref<64x256xi32, #tpu.memory_space<hbm>>)
    %dma_wait3A_197 = arith.constant 0 : i32
    %dma_wait3A_198 = tpu.memref_slice %arg4[%add3A_184, %dma_wait3A_197] : memref<20480x256xi32, #tpu.memory_space<hbm>> -> memref<64x256xi32, #tpu.memory_space<hbm>>
    %dma_wait3A_199 = arith.constant 0 : i32
    %dma_wait3A_200 = tpu.memref_slice %arg4[%add3A_184, %dma_wait3A_199] : memref<20480x256xi32, #tpu.memory_space<hbm>> -> memref<64x256xi32, #tpu.memory_space<hbm>>
    tpu.wait_dma2 semaphore(%arg12 : memref<!tpu.dma_semaphore, #tpu.memory_space<semaphore_mem>>) src(%arg6 : memref<64x256xi32, #tpu.memory_space<vmem>>) dst(%dma_wait3A_200 : memref<64x256xi32, #tpu.memory_space<hbm>>)
    return
  }
}

#map = affine_map<(d0, d1) -> (0, 0)>
#map1 = affine_map<(d0, d1) -> (0)>
module attributes {stable_mosaic.version = 14 : i64} {
  func.func @k(%arg0: i32, %arg1: i32, %arg2: memref<512x256xi32, #tpu.memory_space<hbm>>, %arg3: memref<12288xi32, #tpu.memory_space<hbm>>, %arg4: memref<12288x256xi32, #tpu.memory_space<hbm>>, %arg5: memref<384xi32, #tpu.memory_space<vmem>>, %arg6: memref<64x256xi32, #tpu.memory_space<vmem>>, %arg7: memref<64x256xi32, #tpu.memory_space<vmem>>, %arg8: memref<64x256xi32, #tpu.memory_space<vmem>>, %arg9: memref<!tpu.dma_semaphore, #tpu.memory_space<semaphore_mem>>, %arg10: memref<!tpu.dma_semaphore, #tpu.memory_space<semaphore_mem>>, %arg11: memref<!tpu.dma_semaphore, #tpu.memory_space<semaphore_mem>>, %arg12: memref<!tpu.dma_semaphore, #tpu.memory_space<semaphore_mem>>, %arg13: memref<!tpu.dma_semaphore, #tpu.memory_space<semaphore_mem>>, %arg14: memref<!tpu.dma_semaphore, #tpu.memory_space<semaphore_mem>>) attributes {dimension_semantics = [#tpu.dimension_semantics<core_parallel>, #tpu.dimension_semantics<subcore_parallel>], iteration_bounds = array<i64: 2, 16>, scalar_prefetch = 0 : i64, scratch_operands = 10 : i64, tpu.core_type = #tpu.core_type<sc_vector_subcore>, window_params = [{transform_indices = #map}, {transform_indices = #map1}, {transform_indices = #map}]} {
    %mul3A = arith.constant 2 : i32
    %mul3A_0 = arith.muli %arg1, %mul3A : i32
    %add3A = arith.addi %mul3A_0, %arg0 : i32
    %mul3A_1 = arith.constant 384 : i32
    %mul3A_2 = arith.muli %add3A, %mul3A_1 : i32
    "tpu.region"() ({
      %run_scoped3A = tpu.sem_alloc : memref<!tpu.dma_semaphore, #tpu.memory_space<semaphore_mem>>
      %dma_start3A_121 = tpu.memref_slice %arg3[%mul3A_2] : memref<12288xi32, #tpu.memory_space<hbm>> -> memref<384xi32, #tpu.memory_space<hbm>>
      %dma_start3A_122 = tpu.memref_slice %arg3[%mul3A_2] : memref<12288xi32, #tpu.memory_space<hbm>> -> memref<384xi32, #tpu.memory_space<hbm>>
      tpu.enqueue_dma source(%dma_start3A_122 : memref<384xi32, #tpu.memory_space<hbm>>) target(%arg5 : memref<384xi32, #tpu.memory_space<vmem>>) target_semaphore(%run_scoped3A : memref<!tpu.dma_semaphore, #tpu.memory_space<semaphore_mem>>)
      %dma_wait3A_123 = tpu.memref_slice %arg3[%mul3A_2] : memref<12288xi32, #tpu.memory_space<hbm>> -> memref<384xi32, #tpu.memory_space<hbm>>
      %dma_wait3A_124 = tpu.memref_slice %arg3[%mul3A_2] : memref<12288xi32, #tpu.memory_space<hbm>> -> memref<384xi32, #tpu.memory_space<hbm>>
      tpu.wait_dma2 semaphore(%run_scoped3A : memref<!tpu.dma_semaphore, #tpu.memory_space<semaphore_mem>>) src(%dma_wait3A_124 : memref<384xi32, #tpu.memory_space<hbm>>) dst(%arg5 : memref<384xi32, #tpu.memory_space<vmem>>)
      tpu.yield
    }) : () -> ()
    %dma_start3A = arith.constant 0 : i32
    %dma_start3A_3 = tpu.memref_slice %arg5[%dma_start3A] : memref<384xi32, #tpu.memory_space<vmem>> -> memref<64xi32, #tpu.memory_space<vmem>>
    %dma_start3A_4 = arith.constant 0 : i32
    %dma_start3A_5 = arith.constant 0 : i32
    %dma_start3A_6 = tpu.memref_slice %arg2[%dma_start3A_4, %dma_start3A_5] : memref<512x256xi32, #tpu.memory_space<hbm>> -> memref<512x256xi32, #tpu.memory_space<hbm>>
    tpu.enqueue_indirect_dma source(%dma_start3A_6 : memref<512x256xi32, #tpu.memory_space<hbm>>) target(%arg6 : memref<64x256xi32, #tpu.memory_space<vmem>>) offsets(%dma_start3A_3 : memref<64xi32, #tpu.memory_space<vmem>>) semaphore(%arg9 : memref<!tpu.dma_semaphore, #tpu.memory_space<semaphore_mem>>)
    %dma_start3A_7 = arith.constant 64 : i32
    %dma_start3A_8 = tpu.memref_slice %arg5[%dma_start3A_7] : memref<384xi32, #tpu.memory_space<vmem>> -> memref<64xi32, #tpu.memory_space<vmem>>
    %dma_start3A_9 = arith.constant 0 : i32
    %dma_start3A_10 = arith.constant 0 : i32
    %dma_start3A_11 = tpu.memref_slice %arg2[%dma_start3A_9, %dma_start3A_10] : memref<512x256xi32, #tpu.memory_space<hbm>> -> memref<512x256xi32, #tpu.memory_space<hbm>>
    tpu.enqueue_indirect_dma source(%dma_start3A_11 : memref<512x256xi32, #tpu.memory_space<hbm>>) target(%arg7 : memref<64x256xi32, #tpu.memory_space<vmem>>) offsets(%dma_start3A_8 : memref<64xi32, #tpu.memory_space<vmem>>) semaphore(%arg10 : memref<!tpu.dma_semaphore, #tpu.memory_space<semaphore_mem>>)
    %dma_wait3A = arith.constant 0 : i32
    %dma_wait3A_12 = tpu.memref_slice %arg5[%dma_wait3A] : memref<384xi32, #tpu.memory_space<vmem>> -> memref<64xi32, #tpu.memory_space<vmem>>
    %dma_wait3A_13 = arith.constant 0 : i32
    %dma_wait3A_14 = arith.constant 0 : i32
    %dma_wait3A_15 = tpu.memref_slice %arg2[%dma_wait3A_13, %dma_wait3A_14] : memref<512x256xi32, #tpu.memory_space<hbm>> -> memref<512x256xi32, #tpu.memory_space<hbm>>
    tpu.wait_indirect_dma semaphore(%arg9 : memref<!tpu.dma_semaphore, #tpu.memory_space<semaphore_mem>>) src(%dma_wait3A_15 : memref<512x256xi32, #tpu.memory_space<hbm>>) dst(%arg6 : memref<64x256xi32, #tpu.memory_space<vmem>>)
    %add3A_16 = arith.constant 0 : i32
    %add3A_17 = arith.addi %mul3A_2, %add3A_16 : i32
    %dma_start3A_18 = arith.constant 0 : i32
    %dma_start3A_19 = tpu.memref_slice %arg4[%add3A_17, %dma_start3A_18] : memref<12288x256xi32, #tpu.memory_space<hbm>> -> memref<64x256xi32, #tpu.memory_space<hbm>>
    %dma_start3A_20 = arith.constant 0 : i32
    %dma_start3A_21 = tpu.memref_slice %arg4[%add3A_17, %dma_start3A_20] : memref<12288x256xi32, #tpu.memory_space<hbm>> -> memref<64x256xi32, #tpu.memory_space<hbm>>
    tpu.enqueue_dma source(%arg6 : memref<64x256xi32, #tpu.memory_space<vmem>>) target(%dma_start3A_21 : memref<64x256xi32, #tpu.memory_space<hbm>>) target_semaphore(%arg12 : memref<!tpu.dma_semaphore, #tpu.memory_space<semaphore_mem>>)
    %dma_start3A_22 = arith.constant 128 : i32
    %dma_start3A_23 = tpu.memref_slice %arg5[%dma_start3A_22] : memref<384xi32, #tpu.memory_space<vmem>> -> memref<64xi32, #tpu.memory_space<vmem>>
    %dma_start3A_24 = arith.constant 0 : i32
    %dma_start3A_25 = arith.constant 0 : i32
    %dma_start3A_26 = tpu.memref_slice %arg2[%dma_start3A_24, %dma_start3A_25] : memref<512x256xi32, #tpu.memory_space<hbm>> -> memref<512x256xi32, #tpu.memory_space<hbm>>
    tpu.enqueue_indirect_dma source(%dma_start3A_26 : memref<512x256xi32, #tpu.memory_space<hbm>>) target(%arg8 : memref<64x256xi32, #tpu.memory_space<vmem>>) offsets(%dma_start3A_23 : memref<64xi32, #tpu.memory_space<vmem>>) semaphore(%arg11 : memref<!tpu.dma_semaphore, #tpu.memory_space<semaphore_mem>>)
    %dma_wait3A_27 = arith.constant 64 : i32
    %dma_wait3A_28 = tpu.memref_slice %arg5[%dma_wait3A_27] : memref<384xi32, #tpu.memory_space<vmem>> -> memref<64xi32, #tpu.memory_space<vmem>>
    %dma_wait3A_29 = arith.constant 0 : i32
    %dma_wait3A_30 = arith.constant 0 : i32
    %dma_wait3A_31 = tpu.memref_slice %arg2[%dma_wait3A_29, %dma_wait3A_30] : memref<512x256xi32, #tpu.memory_space<hbm>> -> memref<512x256xi32, #tpu.memory_space<hbm>>
    tpu.wait_indirect_dma semaphore(%arg10 : memref<!tpu.dma_semaphore, #tpu.memory_space<semaphore_mem>>) src(%dma_wait3A_31 : memref<512x256xi32, #tpu.memory_space<hbm>>) dst(%arg7 : memref<64x256xi32, #tpu.memory_space<vmem>>)
    %add3A_32 = arith.constant 64 : i32
    %add3A_33 = arith.addi %mul3A_2, %add3A_32 : i32
    %dma_start3A_34 = arith.constant 0 : i32
    %dma_start3A_35 = tpu.memref_slice %arg4[%add3A_33, %dma_start3A_34] : memref<12288x256xi32, #tpu.memory_space<hbm>> -> memref<64x256xi32, #tpu.memory_space<hbm>>
    %dma_start3A_36 = arith.constant 0 : i32
    %dma_start3A_37 = tpu.memref_slice %arg4[%add3A_33, %dma_start3A_36] : memref<12288x256xi32, #tpu.memory_space<hbm>> -> memref<64x256xi32, #tpu.memory_space<hbm>>
    tpu.enqueue_dma source(%arg7 : memref<64x256xi32, #tpu.memory_space<vmem>>) target(%dma_start3A_37 : memref<64x256xi32, #tpu.memory_space<hbm>>) target_semaphore(%arg13 : memref<!tpu.dma_semaphore, #tpu.memory_space<semaphore_mem>>)
    %dma_wait3A_38 = arith.constant 0 : i32
    %dma_wait3A_39 = tpu.memref_slice %arg4[%add3A_17, %dma_wait3A_38] : memref<12288x256xi32, #tpu.memory_space<hbm>> -> memref<64x256xi32, #tpu.memory_space<hbm>>
    %dma_wait3A_40 = arith.constant 0 : i32
    %dma_wait3A_41 = tpu.memref_slice %arg4[%add3A_17, %dma_wait3A_40] : memref<12288x256xi32, #tpu.memory_space<hbm>> -> memref<64x256xi32, #tpu.memory_space<hbm>>
    tpu.wait_dma2 semaphore(%arg12 : memref<!tpu.dma_semaphore, #tpu.memory_space<semaphore_mem>>) src(%arg6 : memref<64x256xi32, #tpu.memory_space<vmem>>) dst(%dma_wait3A_41 : memref<64x256xi32, #tpu.memory_space<hbm>>)
    %dma_start3A_42 = arith.constant 192 : i32
    %dma_start3A_43 = tpu.memref_slice %arg5[%dma_start3A_42] : memref<384xi32, #tpu.memory_space<vmem>> -> memref<64xi32, #tpu.memory_space<vmem>>
    %dma_start3A_44 = arith.constant 0 : i32
    %dma_start3A_45 = arith.constant 0 : i32
    %dma_start3A_46 = tpu.memref_slice %arg2[%dma_start3A_44, %dma_start3A_45] : memref<512x256xi32, #tpu.memory_space<hbm>> -> memref<512x256xi32, #tpu.memory_space<hbm>>
    tpu.enqueue_indirect_dma source(%dma_start3A_46 : memref<512x256xi32, #tpu.memory_space<hbm>>) target(%arg6 : memref<64x256xi32, #tpu.memory_space<vmem>>) offsets(%dma_start3A_43 : memref<64xi32, #tpu.memory_space<vmem>>) semaphore(%arg9 : memref<!tpu.dma_semaphore, #tpu.memory_space<semaphore_mem>>)
    %dma_wait3A_47 = arith.constant 128 : i32
    %dma_wait3A_48 = tpu.memref_slice %arg5[%dma_wait3A_47] : memref<384xi32, #tpu.memory_space<vmem>> -> memref<64xi32, #tpu.memory_space<vmem>>
    %dma_wait3A_49 = arith.constant 0 : i32
    %dma_wait3A_50 = arith.constant 0 : i32
    %dma_wait3A_51 = tpu.memref_slice %arg2[%dma_wait3A_49, %dma_wait3A_50] : memref<512x256xi32, #tpu.memory_space<hbm>> -> memref<512x256xi32, #tpu.memory_space<hbm>>
    tpu.wait_indirect_dma semaphore(%arg11 : memref<!tpu.dma_semaphore, #tpu.memory_space<semaphore_mem>>) src(%dma_wait3A_51 : memref<512x256xi32, #tpu.memory_space<hbm>>) dst(%arg8 : memref<64x256xi32, #tpu.memory_space<vmem>>)
    %add3A_52 = arith.constant 128 : i32
    %add3A_53 = arith.addi %mul3A_2, %add3A_52 : i32
    %dma_start3A_54 = arith.constant 0 : i32
    %dma_start3A_55 = tpu.memref_slice %arg4[%add3A_53, %dma_start3A_54] : memref<12288x256xi32, #tpu.memory_space<hbm>> -> memref<64x256xi32, #tpu.memory_space<hbm>>
    %dma_start3A_56 = arith.constant 0 : i32
    %dma_start3A_57 = tpu.memref_slice %arg4[%add3A_53, %dma_start3A_56] : memref<12288x256xi32, #tpu.memory_space<hbm>> -> memref<64x256xi32, #tpu.memory_space<hbm>>
    tpu.enqueue_dma source(%arg8 : memref<64x256xi32, #tpu.memory_space<vmem>>) target(%dma_start3A_57 : memref<64x256xi32, #tpu.memory_space<hbm>>) target_semaphore(%arg14 : memref<!tpu.dma_semaphore, #tpu.memory_space<semaphore_mem>>)
    %dma_wait3A_58 = arith.constant 0 : i32
    %dma_wait3A_59 = tpu.memref_slice %arg4[%add3A_33, %dma_wait3A_58] : memref<12288x256xi32, #tpu.memory_space<hbm>> -> memref<64x256xi32, #tpu.memory_space<hbm>>
    %dma_wait3A_60 = arith.constant 0 : i32
    %dma_wait3A_61 = tpu.memref_slice %arg4[%add3A_33, %dma_wait3A_60] : memref<12288x256xi32, #tpu.memory_space<hbm>> -> memref<64x256xi32, #tpu.memory_space<hbm>>
    tpu.wait_dma2 semaphore(%arg13 : memref<!tpu.dma_semaphore, #tpu.memory_space<semaphore_mem>>) src(%arg7 : memref<64x256xi32, #tpu.memory_space<vmem>>) dst(%dma_wait3A_61 : memref<64x256xi32, #tpu.memory_space<hbm>>)
    %dma_start3A_62 = arith.constant 256 : i32
    %dma_start3A_63 = tpu.memref_slice %arg5[%dma_start3A_62] : memref<384xi32, #tpu.memory_space<vmem>> -> memref<64xi32, #tpu.memory_space<vmem>>
    %dma_start3A_64 = arith.constant 0 : i32
    %dma_start3A_65 = arith.constant 0 : i32
    %dma_start3A_66 = tpu.memref_slice %arg2[%dma_start3A_64, %dma_start3A_65] : memref<512x256xi32, #tpu.memory_space<hbm>> -> memref<512x256xi32, #tpu.memory_space<hbm>>
    tpu.enqueue_indirect_dma source(%dma_start3A_66 : memref<512x256xi32, #tpu.memory_space<hbm>>) target(%arg7 : memref<64x256xi32, #tpu.memory_space<vmem>>) offsets(%dma_start3A_63 : memref<64xi32, #tpu.memory_space<vmem>>) semaphore(%arg10 : memref<!tpu.dma_semaphore, #tpu.memory_space<semaphore_mem>>)
    %dma_wait3A_67 = arith.constant 192 : i32
    %dma_wait3A_68 = tpu.memref_slice %arg5[%dma_wait3A_67] : memref<384xi32, #tpu.memory_space<vmem>> -> memref<64xi32, #tpu.memory_space<vmem>>
    %dma_wait3A_69 = arith.constant 0 : i32
    %dma_wait3A_70 = arith.constant 0 : i32
    %dma_wait3A_71 = tpu.memref_slice %arg2[%dma_wait3A_69, %dma_wait3A_70] : memref<512x256xi32, #tpu.memory_space<hbm>> -> memref<512x256xi32, #tpu.memory_space<hbm>>
    tpu.wait_indirect_dma semaphore(%arg9 : memref<!tpu.dma_semaphore, #tpu.memory_space<semaphore_mem>>) src(%dma_wait3A_71 : memref<512x256xi32, #tpu.memory_space<hbm>>) dst(%arg6 : memref<64x256xi32, #tpu.memory_space<vmem>>)
    %add3A_72 = arith.constant 192 : i32
    %add3A_73 = arith.addi %mul3A_2, %add3A_72 : i32
    %dma_start3A_74 = arith.constant 0 : i32
    %dma_start3A_75 = tpu.memref_slice %arg4[%add3A_73, %dma_start3A_74] : memref<12288x256xi32, #tpu.memory_space<hbm>> -> memref<64x256xi32, #tpu.memory_space<hbm>>
    %dma_start3A_76 = arith.constant 0 : i32
    %dma_start3A_77 = tpu.memref_slice %arg4[%add3A_73, %dma_start3A_76] : memref<12288x256xi32, #tpu.memory_space<hbm>> -> memref<64x256xi32, #tpu.memory_space<hbm>>
    tpu.enqueue_dma source(%arg6 : memref<64x256xi32, #tpu.memory_space<vmem>>) target(%dma_start3A_77 : memref<64x256xi32, #tpu.memory_space<hbm>>) target_semaphore(%arg12 : memref<!tpu.dma_semaphore, #tpu.memory_space<semaphore_mem>>)
    %dma_wait3A_78 = arith.constant 0 : i32
    %dma_wait3A_79 = tpu.memref_slice %arg4[%add3A_53, %dma_wait3A_78] : memref<12288x256xi32, #tpu.memory_space<hbm>> -> memref<64x256xi32, #tpu.memory_space<hbm>>
    %dma_wait3A_80 = arith.constant 0 : i32
    %dma_wait3A_81 = tpu.memref_slice %arg4[%add3A_53, %dma_wait3A_80] : memref<12288x256xi32, #tpu.memory_space<hbm>> -> memref<64x256xi32, #tpu.memory_space<hbm>>
    tpu.wait_dma2 semaphore(%arg14 : memref<!tpu.dma_semaphore, #tpu.memory_space<semaphore_mem>>) src(%arg8 : memref<64x256xi32, #tpu.memory_space<vmem>>) dst(%dma_wait3A_81 : memref<64x256xi32, #tpu.memory_space<hbm>>)
    %dma_start3A_82 = arith.constant 320 : i32
    %dma_start3A_83 = tpu.memref_slice %arg5[%dma_start3A_82] : memref<384xi32, #tpu.memory_space<vmem>> -> memref<64xi32, #tpu.memory_space<vmem>>
    %dma_start3A_84 = arith.constant 0 : i32
    %dma_start3A_85 = arith.constant 0 : i32
    %dma_start3A_86 = tpu.memref_slice %arg2[%dma_start3A_84, %dma_start3A_85] : memref<512x256xi32, #tpu.memory_space<hbm>> -> memref<512x256xi32, #tpu.memory_space<hbm>>
    tpu.enqueue_indirect_dma source(%dma_start3A_86 : memref<512x256xi32, #tpu.memory_space<hbm>>) target(%arg8 : memref<64x256xi32, #tpu.memory_space<vmem>>) offsets(%dma_start3A_83 : memref<64xi32, #tpu.memory_space<vmem>>) semaphore(%arg11 : memref<!tpu.dma_semaphore, #tpu.memory_space<semaphore_mem>>)
    %dma_wait3A_87 = arith.constant 256 : i32
    %dma_wait3A_88 = tpu.memref_slice %arg5[%dma_wait3A_87] : memref<384xi32, #tpu.memory_space<vmem>> -> memref<64xi32, #tpu.memory_space<vmem>>
    %dma_wait3A_89 = arith.constant 0 : i32
    %dma_wait3A_90 = arith.constant 0 : i32
    %dma_wait3A_91 = tpu.memref_slice %arg2[%dma_wait3A_89, %dma_wait3A_90] : memref<512x256xi32, #tpu.memory_space<hbm>> -> memref<512x256xi32, #tpu.memory_space<hbm>>
    tpu.wait_indirect_dma semaphore(%arg10 : memref<!tpu.dma_semaphore, #tpu.memory_space<semaphore_mem>>) src(%dma_wait3A_91 : memref<512x256xi32, #tpu.memory_space<hbm>>) dst(%arg7 : memref<64x256xi32, #tpu.memory_space<vmem>>)
    %add3A_92 = arith.constant 256 : i32
    %add3A_93 = arith.addi %mul3A_2, %add3A_92 : i32
    %dma_start3A_94 = arith.constant 0 : i32
    %dma_start3A_95 = tpu.memref_slice %arg4[%add3A_93, %dma_start3A_94] : memref<12288x256xi32, #tpu.memory_space<hbm>> -> memref<64x256xi32, #tpu.memory_space<hbm>>
    %dma_start3A_96 = arith.constant 0 : i32
    %dma_start3A_97 = tpu.memref_slice %arg4[%add3A_93, %dma_start3A_96] : memref<12288x256xi32, #tpu.memory_space<hbm>> -> memref<64x256xi32, #tpu.memory_space<hbm>>
    tpu.enqueue_dma source(%arg7 : memref<64x256xi32, #tpu.memory_space<vmem>>) target(%dma_start3A_97 : memref<64x256xi32, #tpu.memory_space<hbm>>) target_semaphore(%arg13 : memref<!tpu.dma_semaphore, #tpu.memory_space<semaphore_mem>>)
    %dma_wait3A_98 = arith.constant 320 : i32
    %dma_wait3A_99 = tpu.memref_slice %arg5[%dma_wait3A_98] : memref<384xi32, #tpu.memory_space<vmem>> -> memref<64xi32, #tpu.memory_space<vmem>>
    %dma_wait3A_100 = arith.constant 0 : i32
    %dma_wait3A_101 = arith.constant 0 : i32
    %dma_wait3A_102 = tpu.memref_slice %arg2[%dma_wait3A_100, %dma_wait3A_101] : memref<512x256xi32, #tpu.memory_space<hbm>> -> memref<512x256xi32, #tpu.memory_space<hbm>>
    tpu.wait_indirect_dma semaphore(%arg11 : memref<!tpu.dma_semaphore, #tpu.memory_space<semaphore_mem>>) src(%dma_wait3A_102 : memref<512x256xi32, #tpu.memory_space<hbm>>) dst(%arg8 : memref<64x256xi32, #tpu.memory_space<vmem>>)
    %add3A_103 = arith.constant 320 : i32
    %add3A_104 = arith.addi %mul3A_2, %add3A_103 : i32
    %dma_start3A_105 = arith.constant 0 : i32
    %dma_start3A_106 = tpu.memref_slice %arg4[%add3A_104, %dma_start3A_105] : memref<12288x256xi32, #tpu.memory_space<hbm>> -> memref<64x256xi32, #tpu.memory_space<hbm>>
    %dma_start3A_107 = arith.constant 0 : i32
    %dma_start3A_108 = tpu.memref_slice %arg4[%add3A_104, %dma_start3A_107] : memref<12288x256xi32, #tpu.memory_space<hbm>> -> memref<64x256xi32, #tpu.memory_space<hbm>>
    tpu.enqueue_dma source(%arg8 : memref<64x256xi32, #tpu.memory_space<vmem>>) target(%dma_start3A_108 : memref<64x256xi32, #tpu.memory_space<hbm>>) target_semaphore(%arg14 : memref<!tpu.dma_semaphore, #tpu.memory_space<semaphore_mem>>)
    %dma_wait3A_109 = arith.constant 0 : i32
    %dma_wait3A_110 = tpu.memref_slice %arg4[%add3A_73, %dma_wait3A_109] : memref<12288x256xi32, #tpu.memory_space<hbm>> -> memref<64x256xi32, #tpu.memory_space<hbm>>
    %dma_wait3A_111 = arith.constant 0 : i32
    %dma_wait3A_112 = tpu.memref_slice %arg4[%add3A_73, %dma_wait3A_111] : memref<12288x256xi32, #tpu.memory_space<hbm>> -> memref<64x256xi32, #tpu.memory_space<hbm>>
    tpu.wait_dma2 semaphore(%arg12 : memref<!tpu.dma_semaphore, #tpu.memory_space<semaphore_mem>>) src(%arg6 : memref<64x256xi32, #tpu.memory_space<vmem>>) dst(%dma_wait3A_112 : memref<64x256xi32, #tpu.memory_space<hbm>>)
    %dma_wait3A_113 = arith.constant 0 : i32
    %dma_wait3A_114 = tpu.memref_slice %arg4[%add3A_93, %dma_wait3A_113] : memref<12288x256xi32, #tpu.memory_space<hbm>> -> memref<64x256xi32, #tpu.memory_space<hbm>>
    %dma_wait3A_115 = arith.constant 0 : i32
    %dma_wait3A_116 = tpu.memref_slice %arg4[%add3A_93, %dma_wait3A_115] : memref<12288x256xi32, #tpu.memory_space<hbm>> -> memref<64x256xi32, #tpu.memory_space<hbm>>
    tpu.wait_dma2 semaphore(%arg13 : memref<!tpu.dma_semaphore, #tpu.memory_space<semaphore_mem>>) src(%arg7 : memref<64x256xi32, #tpu.memory_space<vmem>>) dst(%dma_wait3A_116 : memref<64x256xi32, #tpu.memory_space<hbm>>)
    %dma_wait3A_117 = arith.constant 0 : i32
    %dma_wait3A_118 = tpu.memref_slice %arg4[%add3A_104, %dma_wait3A_117] : memref<12288x256xi32, #tpu.memory_space<hbm>> -> memref<64x256xi32, #tpu.memory_space<hbm>>
    %dma_wait3A_119 = arith.constant 0 : i32
    %dma_wait3A_120 = tpu.memref_slice %arg4[%add3A_104, %dma_wait3A_119] : memref<12288x256xi32, #tpu.memory_space<hbm>> -> memref<64x256xi32, #tpu.memory_space<hbm>>
    tpu.wait_dma2 semaphore(%arg14 : memref<!tpu.dma_semaphore, #tpu.memory_space<semaphore_mem>>) src(%arg8 : memref<64x256xi32, #tpu.memory_space<vmem>>) dst(%dma_wait3A_120 : memref<64x256xi32, #tpu.memory_space<hbm>>)
    return
  }
}

module attributes {stable_mosaic.version = 14 : i64} {
  func.func @_tc_body(%arg0: i32, %arg1: i32, %arg2: memref<512x1024xbf16, #tpu.memory_space<vmem>>, %arg3: memref<512x128xbf16, #tpu.memory_space<vmem>>, %arg4: memref<1x1024x1024xf32, #tpu.memory_space<vmem>>, %arg5: memref<1x1x1024xi32, #tpu.memory_space<vmem>>, %arg6: memref<1x1x1024xi32, #tpu.memory_space<vmem>>, %arg7: memref<1024x256xi32, #tpu.memory_space<vmem>>, %arg8: memref<1x512x1024xf32, #tpu.memory_space<vmem>>) attributes {dimension_semantics = [#tpu.dimension_semantics<parallel>, #tpu.dimension_semantics<parallel>], iteration_bounds = array<i64: 6, 2>, scalar_prefetch = 0 : i64, scratch_operands = 0 : i64, tpu.core_type = #tpu.core_type<tc>, window_params = [{pipeline_mode = #tpu.pipeline_mode<synchronous>, transform_indices = @transform_0, window_bounds = array<i64: 512, 1024>}, {pipeline_mode = #tpu.pipeline_mode<synchronous>, transform_indices = @transform_1, window_bounds = array<i64: 512, 128>}, {transform_indices = @transform_2, window_bounds = array<i64: 1, 1024, 1024>}, {transform_indices = @transform_3, window_bounds = array<i64: 1, 1, 1024>}, {transform_indices = @transform_4, window_bounds = array<i64: 1, 1, 1024>}, {transform_indices = @transform_5, window_bounds = array<i64: 1024, 256>}, {transform_indices = @transform_6, window_bounds = array<i64: 1, 512, 1024>}]} {
    %get3A = arith.constant 0 : index
    %get3A_0 = arith.constant 0 : index
    %get3A_1 = arith.constant 0 : index
    %get3A_2 = vector.load %arg4[%get3A, %get3A_0, %get3A_1] : memref<1x1024x1024xf32, #tpu.memory_space<vmem>>, vector<1x1024x1024xf32>
    %get3A_3 = vector.shape_cast %get3A_2 : vector<1x1024x1024xf32> to vector<1024x1024xf32>
    %convert_element_type3A = arith.truncf %get3A_3 : vector<1024x1024xf32> to vector<1024x1024xbf16>
    %get3A_4 = arith.constant 0 : index
    %get3A_5 = arith.constant 0 : index
    %get3A_6 = vector.load %arg2[%get3A_4, %get3A_5] : memref<512x1024xbf16, #tpu.memory_space<vmem>>, vector<512x1024xbf16>
    %dot_general3A = arith.constant dense<0.000000e+00> : vector<512x1024xf32>
    %dot_general3A_7 = tpu.matmul %get3A_6, %convert_element_type3A, %dot_general3A {dimension_numbers = #tpu.dot_dimension_numbers<[1], [0], [0], [1], [0, 0, 1, 1], [], []>, transpose_lhs_hint = false} : vector<512x1024xbf16>, vector<1024x1024xbf16>, vector<512x1024xf32> -> vector<512x1024xf32>
    %iota3A = tpu.iota {dimensions = array<i32: 0>} : vector<128x1024xi32>
    %get3A_8 = arith.constant 0 : index
    %get3A_9 = arith.constant 0 : index
    %get3A_10 = arith.constant 0 : index
    %get3A_11 = vector.load %arg5[%get3A_8, %get3A_9, %get3A_10] : memref<1x1x1024xi32, #tpu.memory_space<vmem>>, vector<1x1x1024xi32>
    %get3A_12 = vector.shape_cast %get3A_11 : vector<1x1x1024xi32> to vector<1x1024xi32>
    %eq3A = vector.broadcast %get3A_12 : vector<1x1024xi32> to vector<128x1024xi32>
    %eq3A_13 = arith.cmpi eq, %iota3A, %eq3A : vector<128x1024xi32>
    %get3A_14 = arith.constant 0 : index
    %get3A_15 = arith.constant 0 : index
    %get3A_16 = arith.constant 0 : index
    %get3A_17 = vector.load %arg6[%get3A_14, %get3A_15, %get3A_16] : memref<1x1x1024xi32, #tpu.memory_space<vmem>>, vector<1x1x1024xi32>
    %get3A_18 = vector.shape_cast %get3A_17 : vector<1x1x1024xi32> to vector<1x1024xi32>
    %add3A = arith.constant 16 : i32
    %add3A_19 = vector.broadcast %add3A : i32 to vector<1x1024xi32>
    %add3A_20 = arith.addi %get3A_18, %add3A_19 : vector<1x1024xi32>
    %eq3A_21 = vector.broadcast %add3A_20 : vector<1x1024xi32> to vector<128x1024xi32>
    %eq3A_22 = arith.cmpi eq, %iota3A, %eq3A_21 : vector<128x1024xi32>
    %or3A = arith.ori %eq3A_13, %eq3A_22 : vector<128x1024xi1>
    %get3A_23 = arith.constant 0 : index
    %get3A_24 = arith.constant 0 : index
    %get3A_25 = vector.load %arg3[%get3A_23, %get3A_24] : memref<512x128xbf16, #tpu.memory_space<vmem>>, vector<512x128xbf16>
    %convert_element_type3A_26 = arith.extui %or3A : vector<128x1024xi1> to vector<128x1024xi32>
    %convert_element_type3A_27 = arith.sitofp %convert_element_type3A_26 : vector<128x1024xi32> to vector<128x1024xf32>
    %convert_element_type3A_28 = arith.truncf %convert_element_type3A_27 : vector<128x1024xf32> to vector<128x1024xbf16>
    %dot_general3A_29 = arith.constant dense<0.000000e+00> : vector<512x1024xf32>
    %dot_general3A_30 = tpu.matmul %get3A_25, %convert_element_type3A_28, %dot_general3A_29 {dimension_numbers = #tpu.dot_dimension_numbers<[1], [0], [0], [1], [0, 0, 1, 1], [], []>, transpose_lhs_hint = false} : vector<512x128xbf16>, vector<128x1024xbf16>, vector<512x1024xf32> -> vector<512x1024xf32>
    %add3A_31 = arith.addf %dot_general3A_7, %dot_general3A_30 : vector<512x1024xf32>
    %get3A_32 = arith.constant 0 : index
    %get3A_33 = arith.constant 0 : index
    %get3A_34 = vector.load %arg7[%get3A_32, %get3A_33] : memref<1024x256xi32, #tpu.memory_space<vmem>>, vector<1024x256xi32>
    %shift_left3A = arith.constant 16 : i32
    %shift_left3A_35 = vector.broadcast %shift_left3A : i32 to vector<1024x256xi32>
    %shift_left3A_36 = arith.shli %get3A_34, %shift_left3A_35 : vector<1024x256xi32>
    %bitcast_convert_type3A = tpu.bitcast %shift_left3A_36 : vector<1024x256xi32> -> vector<1024x256xf32>
    %and3A = arith.constant -65536 : i32
    %and3A_37 = vector.broadcast %and3A : i32 to vector<1024x256xi32>
    %and3A_38 = arith.andi %get3A_34, %and3A_37 : vector<1024x256xi32>
    %bitcast_convert_type3A_39 = tpu.bitcast %and3A_38 : vector<1024x256xi32> -> vector<1024x256xf32>
    %slice3A = vector.extract_strided_slice %add3A_31 {offsets = [0, 0], sizes = [256, 1024], strides = [1, 1]} : vector<512x1024xf32> to vector<256x1024xf32>
    %transpose3A = tpu.transpose %bitcast_convert_type3A, [1, 0] : vector<1024x256xf32> -> vector<256x1024xf32>
    %add3A_40 = arith.addf %slice3A, %transpose3A : vector<256x1024xf32>
    %swap3A = arith.constant 0 : index
    %swap3A_41 = arith.constant 0 : index
    %swap3A_42 = arith.constant 0 : index
    %swap3A_43 = vector.load %arg8[%swap3A, %swap3A_41, %swap3A_42] : memref<1x512x1024xf32, #tpu.memory_space<vmem>>, vector<1x256x1024xf32>
    %swap3A_44 = vector.shape_cast %swap3A_43 : vector<1x256x1024xf32> to vector<256x1024xf32>
    %swap3A_45 = vector.shape_cast %add3A_40 : vector<256x1024xf32> to vector<1x256x1024xf32>
    tpu.vector_store %arg8[%swap3A, %swap3A_41, %swap3A_42], %swap3A_45 {strides = array<i32>} : memref<1x512x1024xf32, #tpu.memory_space<vmem>>, vector<1x256x1024xf32>,
    %slice3A_46 = vector.extract_strided_slice %add3A_31 {offsets = [256, 0], sizes = [256, 1024], strides = [1, 1]} : vector<512x1024xf32> to vector<256x1024xf32>
    %transpose3A_47 = tpu.transpose %bitcast_convert_type3A_39, [1, 0] : vector<1024x256xf32> -> vector<256x1024xf32>
    %add3A_48 = arith.addf %slice3A_46, %transpose3A_47 : vector<256x1024xf32>
    %swap3A_49 = arith.constant 0 : index
    %swap3A_50 = arith.constant 256 : index
    %swap3A_51 = arith.constant 0 : index
    %swap3A_52 = vector.load %arg8[%swap3A_49, %swap3A_50, %swap3A_51] : memref<1x512x1024xf32, #tpu.memory_space<vmem>>, vector<1x256x1024xf32>
    %swap3A_53 = vector.shape_cast %swap3A_52 : vector<1x256x1024xf32> to vector<256x1024xf32>
    %swap3A_54 = vector.shape_cast %add3A_48 : vector<256x1024xf32> to vector<1x256x1024xf32>
    tpu.vector_store %arg8[%swap3A_49, %swap3A_50, %swap3A_51], %swap3A_54 {strides = array<i32>} : memref<1x512x1024xf32, #tpu.memory_space<vmem>>, vector<1x256x1024xf32>,
    return
  }
  func.func @transform_0(%arg0: i32, %arg1: i32) -> (i32, i32) {
    %c0_i32 = arith.constant 0 : i32
    %c0_i32_0 = arith.constant 0 : i32
    %c0_i32_1 = arith.constant 0 : i32
    return %c0_i32, %c0_i32_0 : i32, i32
  }
  func.func @transform_1(%arg0: i32, %arg1: i32) -> (i32, i32) {
    %c0_i32 = arith.constant 0 : i32
    %c0_i32_0 = arith.constant 0 : i32
    %c0_i32_1 = arith.constant 0 : i32
    return %c0_i32, %c0_i32_0 : i32, i32
  }
  func.func @transform_2(%arg0: i32, %arg1: i32) -> (i32, i32, i32) {
    %add3A = arith.constant 0 : i32
    %add3A_0 = arith.addi %add3A, %arg0 : i32
    %c0_i32 = arith.constant 0 : i32
    %c0_i32_1 = arith.constant 0 : i32
    return %add3A_0, %c0_i32, %arg1 : i32, i32, i32
  }
  func.func @transform_3(%arg0: i32, %arg1: i32) -> (i32, i32, i32) {
    %add3A = arith.constant 0 : i32
    %add3A_0 = arith.addi %add3A, %arg0 : i32
    %c0_i32 = arith.constant 0 : i32
    %c0_i32_1 = arith.constant 0 : i32
    return %add3A_0, %c0_i32, %arg1 : i32, i32, i32
  }
  func.func @transform_4(%arg0: i32, %arg1: i32) -> (i32, i32, i32) {
    %add3A = arith.constant 0 : i32
    %add3A_0 = arith.addi %add3A, %arg0 : i32
    %c0_i32 = arith.constant 0 : i32
    %c0_i32_1 = arith.constant 0 : i32
    return %add3A_0, %c0_i32, %arg1 : i32, i32, i32
  }
  func.func @transform_5(%arg0: i32, %arg1: i32) -> (i32, i32) {
    %mul3A = arith.constant 2 : i32
    %mul3A_0 = arith.muli %arg0, %mul3A : i32
    %add3A = arith.addi %mul3A_0, %arg1 : i32
    %c0_i32 = arith.constant 0 : i32
    %c0_i32_1 = arith.constant 0 : i32
    return %add3A, %c0_i32 : i32, i32
  }
  func.func @transform_6(%arg0: i32, %arg1: i32) -> (i32, i32, i32) {
    %add3A = arith.constant 0 : i32
    %add3A_0 = arith.addi %add3A, %arg0 : i32
    %c0_i32 = arith.constant 0 : i32
    %c0_i32_1 = arith.constant 0 : i32
    return %add3A_0, %c0_i32, %arg1 : i32, i32, i32
  }
}

module attributes {stable_mosaic.version = 14 : i64} {
  func.func @_tc_body(%arg0: i32, %arg1: i32, %arg2: memref<512x1024xbf16, #tpu.memory_space<vmem>>, %arg3: memref<512x128xbf16, #tpu.memory_space<vmem>>, %arg4: memref<1x1024x1024xf32, #tpu.memory_space<vmem>>, %arg5: memref<1x1x1024xi32, #tpu.memory_space<vmem>>, %arg6: memref<1x1x1024xi32, #tpu.memory_space<vmem>>, %arg7: memref<1024x256xi32, #tpu.memory_space<vmem>>, %arg8: memref<16x512x2048xf32, #tpu.memory_space<any>>, %arg9: memref<1x512x1024xf32, #tpu.memory_space<vmem>>) attributes {dimension_semantics = [#tpu.dimension_semantics<parallel>, #tpu.dimension_semantics<parallel>], iteration_bounds = array<i64: 10, 2>, scalar_prefetch = 0 : i64, scratch_operands = 0 : i64, tpu.core_type = #tpu.core_type<tc>, window_params = [{pipeline_mode = #tpu.pipeline_mode<synchronous>, transform_indices = @transform_0, window_bounds = array<i64: 512, 1024>}, {pipeline_mode = #tpu.pipeline_mode<synchronous>, transform_indices = @transform_1, window_bounds = array<i64: 512, 128>}, {transform_indices = @transform_2, window_bounds = array<i64: 1, 1024, 1024>}, {transform_indices = @transform_3, window_bounds = array<i64: 1, 1, 1024>}, {transform_indices = @transform_4, window_bounds = array<i64: 1, 1, 1024>}, {transform_indices = @transform_5, window_bounds = array<i64: 1024, 256>}, {}, {transform_indices = @transform_7, window_bounds = array<i64: 1, 512, 1024>}]} {
    %get3A = arith.constant 0 : index
    %get3A_0 = arith.constant 0 : index
    %get3A_1 = arith.constant 0 : index
    %get3A_2 = vector.load %arg4[%get3A, %get3A_0, %get3A_1] : memref<1x1024x1024xf32, #tpu.memory_space<vmem>>, vector<1x1024x1024xf32>
    %get3A_3 = vector.shape_cast %get3A_2 : vector<1x1024x1024xf32> to vector<1024x1024xf32>
    %convert_element_type3A = arith.truncf %get3A_3 : vector<1024x1024xf32> to vector<1024x1024xbf16>
    %get3A_4 = arith.constant 0 : index
    %get3A_5 = arith.constant 0 : index
    %get3A_6 = vector.load %arg2[%get3A_4, %get3A_5] : memref<512x1024xbf16, #tpu.memory_space<vmem>>, vector<512x1024xbf16>
    %dot_general3A = arith.constant dense<0.000000e+00> : vector<512x1024xf32>
    %dot_general3A_7 = tpu.matmul %get3A_6, %convert_element_type3A, %dot_general3A {dimension_numbers = #tpu.dot_dimension_numbers<[1], [0], [0], [1], [0, 0, 1, 1], [], []>, transpose_lhs_hint = false} : vector<512x1024xbf16>, vector<1024x1024xbf16>, vector<512x1024xf32> -> vector<512x1024xf32>
    %iota3A = tpu.iota {dimensions = array<i32: 0>} : vector<128x1024xi32>
    %get3A_8 = arith.constant 0 : index
    %get3A_9 = arith.constant 0 : index
    %get3A_10 = arith.constant 0 : index
    %get3A_11 = vector.load %arg5[%get3A_8, %get3A_9, %get3A_10] : memref<1x1x1024xi32, #tpu.memory_space<vmem>>, vector<1x1x1024xi32>
    %get3A_12 = vector.shape_cast %get3A_11 : vector<1x1x1024xi32> to vector<1x1024xi32>
    %eq3A = vector.broadcast %get3A_12 : vector<1x1024xi32> to vector<128x1024xi32>
    %eq3A_13 = arith.cmpi eq, %iota3A, %eq3A : vector<128x1024xi32>
    %get3A_14 = arith.constant 0 : index
    %get3A_15 = arith.constant 0 : index
    %get3A_16 = arith.constant 0 : index
    %get3A_17 = vector.load %arg6[%get3A_14, %get3A_15, %get3A_16] : memref<1x1x1024xi32, #tpu.memory_space<vmem>>, vector<1x1x1024xi32>
    %get3A_18 = vector.shape_cast %get3A_17 : vector<1x1x1024xi32> to vector<1x1024xi32>
    %add3A = arith.constant 16 : i32
    %add3A_19 = vector.broadcast %add3A : i32 to vector<1x1024xi32>
    %add3A_20 = arith.addi %get3A_18, %add3A_19 : vector<1x1024xi32>
    %eq3A_21 = vector.broadcast %add3A_20 : vector<1x1024xi32> to vector<128x1024xi32>
    %eq3A_22 = arith.cmpi eq, %iota3A, %eq3A_21 : vector<128x1024xi32>
    %or3A = arith.ori %eq3A_13, %eq3A_22 : vector<128x1024xi1>
    %get3A_23 = arith.constant 0 : index
    %get3A_24 = arith.constant 0 : index
    %get3A_25 = vector.load %arg3[%get3A_23, %get3A_24] : memref<512x128xbf16, #tpu.memory_space<vmem>>, vector<512x128xbf16>
    %convert_element_type3A_26 = arith.extui %or3A : vector<128x1024xi1> to vector<128x1024xi32>
    %convert_element_type3A_27 = arith.sitofp %convert_element_type3A_26 : vector<128x1024xi32> to vector<128x1024xf32>
    %convert_element_type3A_28 = arith.truncf %convert_element_type3A_27 : vector<128x1024xf32> to vector<128x1024xbf16>
    %dot_general3A_29 = arith.constant dense<0.000000e+00> : vector<512x1024xf32>
    %dot_general3A_30 = tpu.matmul %get3A_25, %convert_element_type3A_28, %dot_general3A_29 {dimension_numbers = #tpu.dot_dimension_numbers<[1], [0], [0], [1], [0, 0, 1, 1], [], []>, transpose_lhs_hint = false} : vector<512x128xbf16>, vector<128x1024xbf16>, vector<512x1024xf32> -> vector<512x1024xf32>
    %add3A_31 = arith.addf %dot_general3A_7, %dot_general3A_30 : vector<512x1024xf32>
    %get3A_32 = arith.constant 0 : index
    %get3A_33 = arith.constant 0 : index
    %get3A_34 = vector.load %arg7[%get3A_32, %get3A_33] : memref<1024x256xi32, #tpu.memory_space<vmem>>, vector<1024x256xi32>
    %shift_left3A = arith.constant 16 : i32
    %shift_left3A_35 = vector.broadcast %shift_left3A : i32 to vector<1024x256xi32>
    %shift_left3A_36 = arith.shli %get3A_34, %shift_left3A_35 : vector<1024x256xi32>
    %bitcast_convert_type3A = tpu.bitcast %shift_left3A_36 : vector<1024x256xi32> -> vector<1024x256xf32>
    %and3A = arith.constant -65536 : i32
    %and3A_37 = vector.broadcast %and3A : i32 to vector<1024x256xi32>
    %and3A_38 = arith.andi %get3A_34, %and3A_37 : vector<1024x256xi32>
    %bitcast_convert_type3A_39 = tpu.bitcast %and3A_38 : vector<1024x256xi32> -> vector<1024x256xf32>
    %slice3A = vector.extract_strided_slice %add3A_31 {offsets = [0, 0], sizes = [256, 1024], strides = [1, 1]} : vector<512x1024xf32> to vector<256x1024xf32>
    %transpose3A = tpu.transpose %bitcast_convert_type3A, [1, 0] : vector<1024x256xf32> -> vector<256x1024xf32>
    %add3A_40 = arith.addf %slice3A, %transpose3A : vector<256x1024xf32>
    %swap3A = arith.constant 0 : index
    %swap3A_41 = arith.constant 0 : index
    %swap3A_42 = arith.constant 0 : index
    %swap3A_43 = vector.load %arg9[%swap3A, %swap3A_41, %swap3A_42] : memref<1x512x1024xf32, #tpu.memory_space<vmem>>, vector<1x256x1024xf32>
    %swap3A_44 = vector.shape_cast %swap3A_43 : vector<1x256x1024xf32> to vector<256x1024xf32>
    %swap3A_45 = vector.shape_cast %add3A_40 : vector<256x1024xf32> to vector<1x256x1024xf32>
    tpu.vector_store %arg9[%swap3A, %swap3A_41, %swap3A_42], %swap3A_45 {strides = array<i32>} : memref<1x512x1024xf32, #tpu.memory_space<vmem>>, vector<1x256x1024xf32>,
    %slice3A_46 = vector.extract_strided_slice %add3A_31 {offsets = [256, 0], sizes = [256, 1024], strides = [1, 1]} : vector<512x1024xf32> to vector<256x1024xf32>
    %transpose3A_47 = tpu.transpose %bitcast_convert_type3A_39, [1, 0] : vector<1024x256xf32> -> vector<256x1024xf32>
    %add3A_48 = arith.addf %slice3A_46, %transpose3A_47 : vector<256x1024xf32>
    %swap3A_49 = arith.constant 0 : index
    %swap3A_50 = arith.constant 256 : index
    %swap3A_51 = arith.constant 0 : index
    %swap3A_52 = vector.load %arg9[%swap3A_49, %swap3A_50, %swap3A_51] : memref<1x512x1024xf32, #tpu.memory_space<vmem>>, vector<1x256x1024xf32>
    %swap3A_53 = vector.shape_cast %swap3A_52 : vector<1x256x1024xf32> to vector<256x1024xf32>
    %swap3A_54 = vector.shape_cast %add3A_48 : vector<256x1024xf32> to vector<1x256x1024xf32>
    tpu.vector_store %arg9[%swap3A_49, %swap3A_50, %swap3A_51], %swap3A_54 {strides = array<i32>} : memref<1x512x1024xf32, #tpu.memory_space<vmem>>, vector<1x256x1024xf32>,
    return
  }
  func.func @transform_0(%arg0: i32, %arg1: i32) -> (i32, i32) {
    %c0_i32 = arith.constant 0 : i32
    %c0_i32_0 = arith.constant 0 : i32
    %c0_i32_1 = arith.constant 0 : i32
    return %c0_i32, %c0_i32_0 : i32, i32
  }
  func.func @transform_1(%arg0: i32, %arg1: i32) -> (i32, i32) {
    %c0_i32 = arith.constant 0 : i32
    %c0_i32_0 = arith.constant 0 : i32
    %c0_i32_1 = arith.constant 0 : i32
    return %c0_i32, %c0_i32_0 : i32, i32
  }
  func.func @transform_2(%arg0: i32, %arg1: i32) -> (i32, i32, i32) {
    %add3A = arith.constant 6 : i32
    %add3A_0 = arith.addi %add3A, %arg0 : i32
    %c0_i32 = arith.constant 0 : i32
    %c0_i32_1 = arith.constant 0 : i32
    return %add3A_0, %c0_i32, %arg1 : i32, i32, i32
  }
  func.func @transform_3(%arg0: i32, %arg1: i32) -> (i32, i32, i32) {
    %add3A = arith.constant 6 : i32
    %add3A_0 = arith.addi %add3A, %arg0 : i32
    %c0_i32 = arith.constant 0 : i32
    %c0_i32_1 = arith.constant 0 : i32
    return %add3A_0, %c0_i32, %arg1 : i32, i32, i32
  }
  func.func @transform_4(%arg0: i32, %arg1: i32) -> (i32, i32, i32) {
    %add3A = arith.constant 6 : i32
    %add3A_0 = arith.addi %add3A, %arg0 : i32
    %c0_i32 = arith.constant 0 : i32
    %c0_i32_1 = arith.constant 0 : i32
    return %add3A_0, %c0_i32, %arg1 : i32, i32, i32
  }
  func.func @transform_5(%arg0: i32, %arg1: i32) -> (i32, i32) {
    %mul3A = arith.constant 2 : i32
    %mul3A_0 = arith.muli %arg0, %mul3A : i32
    %add3A = arith.addi %mul3A_0, %arg1 : i32
    %c0_i32 = arith.constant 0 : i32
    %c0_i32_1 = arith.constant 0 : i32
    return %add3A, %c0_i32 : i32, i32
  }
  func.func @transform_7(%arg0: i32, %arg1: i32) -> (i32, i32, i32) {
    %add3A = arith.constant 6 : i32
    %add3A_0 = arith.addi %add3A, %arg0 : i32
    %c0_i32 = arith.constant 0 : i32
    %c0_i32_1 = arith.constant 0 : i32
    return %add3A_0, %c0_i32, %arg1 : i32, i32, i32
  }
}

</mosaic_0001>

<sc_bundles>
// kernel: kernel.6.cloned.1.call-start
scs
__scs_entry_jumppad:
0x0: {  	(pc) =	sbr.rel $0x88, $3  }
0x1: {  	(tag) =	ssettag $0x0;
	lr =	simm.s32 $0x1  }
0x2: {  	[smem:$0x3F99] =	sst lr;
	_ =	strace $0xD0000000  }
0x3: {  	_ = 	snop  }
0x4: {  	_ = 	snop  }
0x5: {  	_ = 	snop  }
0x6: {  	_ = 	snop  }
0x7: {  	_ = 	snop  }
__scs_overlays_trampoline_lowered:
0x8: {  	[smem:$0x3FA8] =	sst s0  }
0x9: {  	[smem:$0x3FA9] =	sst s1  }
0xa: {  	[smem:$0x3FAA] =	sst s2  }
0xb: {  	[smem:$0x3FAB] =	sst s3  }
0xc: {  	[smem:$0x3FAC] =	sst s4  }
0xd: {  	[smem:$0x3FAD] =	sst s5  }
0xe: {  	[smem:$0x3FAE] =	sst s6  }
0xf: {  	[smem:$0x3FAF] =	sst s7  }
0x10: {  	[smem:$0x3FB0] =	sst s8  }
0x11: {  	[smem:$0x3FB1] =	sst s9;
	s0 =	simm.s32 @!p0 $0x0  }
0x12: {  	s1 =	sld [smem:$0x3F97];
	s0 =	simm.s32 @p0 $0x1  }
0x13: {  	[smem:$0x3FB2] =	sst s0;
	s0 =	simm.s32 @!p1 $0x0  }
0x14: {  	s2 =	sld [smem:$0x3F96];
	s0 =	simm.s32 @p1 $0x1  }
0x15: {  	[smem:$0x3FB3] =	sst s0;
	s0 =	simm.s32 @!p2 $0x0  }
0x16: {  	s3 =	sld [smem:$0x3FDB];
	s0 =	simm.s32 @p2 $0x1  }
0x17: {  	s4 =	simm.s32 $0x1BF5;
	[smem:$0x3FB5] =	sst s0  }
0x18: {  	s0 =	sld [smem:$0x3F98];
	_ =	swait.ge [sflag:s4], $0x0  }
0x19: {  	s7 =	sld [smem:$0x3F99]  }
0x1a: {  	s8 =	sadd.s32 $0xFFFFE003, lr  }
0x1b: {  	s9 =	sadd.s32 $0xFFFFFEF7, lr;
	s5 =	simm.s32 $0xFFFFFFFF;
	p2 =	slt.u32 s8, $0xFFFFF086  }
0x1c: {  	p1 =	slt.u32 s9, $0xF7A;
	s5 =	simm.s32 @!p2 $0x0  }
0x1d: {  	s5 =	simm.s32 @p1 $0x1;
	p0 =	seq.s32 s7, s2  }
0x1e: {  	s7 =	smul.u32 @!p0 $0xF7A, s2;
	p2 =	seq.s32 @!p0 s5, $0x0  }
0x1f: {  	s9 =	smul.u32 $0xF7A, s1;
	s8 =	simm.s32 @!p0 $0x1BF5;
	p2 =	por !p2, p0  }
0x20: {  	[sflag:s8] =	ssyncset.s32 @!p0 $0xFFFFF086;
	s6 =	sadd.s32 @!p0 s3, s7;
	s7 =	simm.s32 @!p0 $0x108  }
0x21: {  	s3 =	sadd.s32 s3, s9;
	s6 =	sadd.s32 @!p0 $0x88, s6;
	s7 =	simm.s32 @p2 $0x1082  }
0x22: {  	[simem:s7], [sflag:s8] =	dma.local @!p0 [hbm:s6], $0xF7A  }
0x23: {  	s9 =	sor.u32 $0xD0000000, s2;
	s6 =	simm.s32 $0x108;
	_ =	swait.ge @!p0 [sflag:s8], $0x0  }
0x24: {  	s3 =	sadd.s32 $0x88, s3;
	s6 =	simm.s32 @!p1 $0x1082;
	[sflag:s4] =	ssyncset.s32 $0xFFFFF086  }
0x25: {  	[simem:s6], [sflag:s4] =	dma.local [hbm:s3], $0xF7A  }
0x26: {  	[smem:$0x3F99] =	sst s1;
	(tag) =	ssettag s2;
	_ =	strace s9  }
0x27: {  	s1 =	sld [smem:$0x3FA9]  }
0x28: {  	s2 =	sld [smem:$0x3FAA]  }
0x29: {  	s4 =	sld [smem:$0x3FAC]  }
0x2a: {  	p0 =	seq.s32 s5, $0x0;
	s5 =	sld [smem:$0x3FAD]  }
0x2b: {  	s6 =	sld [smem:$0x3FAE]  }
0x2c: {  	s7 =	sld [smem:$0x3FAF]  }
0x2d: {  	s3 =	simm.s32 $0x108;
	s8 =	sld [smem:$0x3FB0]  }
0x2e: {  	s3 =	simm.s32 @!p0 $0x1082;
	s9 =	sld [smem:$0x3FB1]  }
0x2f: {  	lr =	sadd.s32 s0, s3;
	s0 =	sld [smem:$0x3FA8]  }
0x30: {  	s3 =	sld [smem:$0x3FAB]  }
0x31: {  	[smem:$0x3FB4] =	sst s10  }
0x32: {  	s10 =	sld [smem:$0x3FB2];
	_ =	sdelay $0x3  }
0x33: {  	p0 =	seq.s32 s10, $0x1;
	s10 =	sld [smem:$0x3FB4];
	_ =	sdelay $0x3  }
0x34: {  	[smem:$0x3FB4] =	sst s10  }
0x35: {  	s10 =	sld [smem:$0x3FB3];
	_ =	sdelay $0x3  }
0x36: {  	p1 =	seq.s32 s10, $0x1;
	s10 =	sld [smem:$0x3FB4];
	_ =	sdelay $0x3  }
0x37: {  	[smem:$0x3FB4] =	sst s10  }
0x38: {  	s10 =	sld [smem:$0x3FB5]  }
0x39: {  	_ = 	snop;
	(pc) =	sbr.ind lr, $3  }
0x3a: {  	_ = 	snop  }
0x3b: {  	_ = 	snop  }
0x3c: {  	p2 =	seq.s32 s10, $0x1;
	s10 =	sld [smem:$0x3FB4]  }
0x3d: {  	_ =	shalt  }
0x3e: {  	_ =	shalt  }
0x3f: {  	_ =	shalt  }
0x40: {  	_ =	shalt  }
0x41: {  	_ =	shalt  }
0x42: {  	_ =	shalt  }
0x43: {  	_ =	shalt  }
0x44: {  	_ =	shalt  }
0x45: {  	_ =	shalt  }
0x46: {  	_ =	shalt  }
0x47: {  	_ =	shalt  }
0x48: {  	_ =	shalt  }
0x49: {  	_ =	shalt  }
0x4a: {  	_ =	shalt  }
0x4b: {  	_ =	shalt  }
0x4c: {  	_ =	shalt  }
0x4d: {  	_ =	shalt  }
0x4e: {  	_ =	shalt  }
0x4f: {  	_ =	shalt  }
0x50: {  	_ =	shalt  }
0x51: {  	_ =	shalt  }
0x52: {  	_ =	shalt  }
0x53: {  	_ =	shalt  }
0x54: {  	_ =	shalt  }
0x55: {  	_ =	shalt  }
0x56: {  	_ =	shalt  }
0x57: {  	_ =	shalt  }
0x58: {  	_ =	shalt  }
0x59: {  	_ =	shalt  }
0x5a: {  	_ =	shalt  }
0x5b: {  	_ =	shalt  }
0x5c: {  	_ =	shalt  }
0x5d: {  	_ =	shalt  }
0x5e: {  	_ =	shalt  }
0x5f: {  	_ =	shalt  }
0x60: {  	_ =	shalt  }
0x61: {  	_ =	shalt  }
0x62: {  	_ =	shalt  }
0x63: {  	_ =	shalt  }
0x64: {  	_ =	shalt  }
0x65: {  	_ =	shalt  }
0x66: {  	_ =	shalt  }
0x67: {  	_ =	shalt  }
0x68: {  	_ =	shalt  }
0x69: {  	_ =	shalt  }
0x6a: {  	_ =	shalt  }
0x6b: {  	_ =	shalt  }
0x6c: {  	_ =	shalt  }
0x6d: {  	_ =	shalt  }
0x6e: {  	_ =	shalt  }
0x6f: {  	_ =	shalt  }
0x70: {  	_ =	shalt  }
0x71: {  	_ =	shalt  }
0x72: {  	_ =	shalt  }
0x73: {  	_ =	shalt  }
0x74: {  	_ =	shalt  }
0x75: {  	_ =	shalt  }
0x76: {  	_ =	shalt  }
0x77: {  	_ =	shalt  }
0x78: {  	_ =	shalt  }
0x79: {  	_ =	shalt  }
0x7a: {  	_ =	shalt  }
0x7b: {  	_ =	shalt  }
0x7c: {  	_ =	shalt  }
0x7d: {  	_ =	shalt  }
0x7e: {  	_ =	shalt  }
0x7f: {  	_ =	shalt  }
0x80: {  	_ =	shalt  }
0x81: {  	_ =	shalt  }
0x82: {  	_ =	shalt  }
0x83: {  	_ =	shalt  }
0x84: {  	_ =	shalt  }
0x85: {  	_ =	shalt  }
0x86: {  	_ =	shalt  }
0x87: {  	_ =	shalt  }
.Lfunc_end0:
.L_simem_size_0:
called_computation_lowered:
.L_overlay_start_0:
0x88: {  	s2 =	sld [smem:$0x3FD9]  }
0x89: {  	s3 =	sld [smem:$0x3FFE];
	_ =	sdelay $0x1  }
0x8a: {  	s1 =	srdreg.scid  }
0x8b: {  	s0 =	sand.u32 $0x1, s1  }
0x8c: {  	s17 =	sshll.u32 s0, $0xA;
	s2 =	sadd.s32 s3, s2  }
0x8d: {  	s2 =	sadd.s32 s2, s17  }
0x8e: {  	[smem:$0x3FC0] =	sst s2  }
0x8f: {  	_ = 	snop  }
0x90: {  	s2 =	sld [smem:$0x3FD0];
	(tm) =	ssettm $0x1  }
0x91: {  	s18 =	sld [smem:$0x3FFB];
	_ =	sdelay $0x3  }
0x92: {  	_ =	strace s18  }
0x93: {  	s3 =	sld [smem:$0x3FFC];
	_ =	sdelay $0x3  }
0x94: {  	_ =	strace s3  }
0x95: {  	s3 =	sld [smem:$0x3FFD];
	_ =	sdelay $0x3  }
0x96: {  	_ =	strace s3  }
0x97: {  	_ =	strace $0x8FFFFFFF  }
0x98: {  	s19 =	sld [smem:$0x3FDB];
	_ =	sdelay $0x1  }
0x99: {  	s4 =	simm.s32 $_scs_section_size  }
0x9a: {  	s5 =	simm.s32 $_size__tile_overlayer_lowered;
	s6 =	simm.s32 $_tile_overlayer_lowered  }
0x9b: {  	s22 =	simm.s32 $0x1BFF;
	s21 =	sshll.u32 s6, $0x1;
	s3 =	sadd.s32 s4, s19  }
0x9c: {  	s7 =	simm.s32 $0x0;
	s20 =	sshll.u32 s5, $0x1;
	s5 =	sadd.s32 s21, s3  }
0x9d: {  	[timem:s7], [sflag:s22] =	dma.local [hbm:s5], s20  }
0x9e: {  	_ =	swait.ge [sflag:s22], s20  }
0x9f: {  	s4 =	ssub.s32 $0x0, s20;
	[sflag:s22] =	ssyncset.done $0x0  }
0xa0: {  	[sflag:s22] =	ssyncadd.s32 s4;
	_ =	sdelay $0x1  }
0xa1: {  	s23 =	simm.s32 $0x1B8B  }
0xa2: {  	_ =	swait.ge [sflag:s23], $0x1  }
0xa3: {  	[sflag:s23] =	ssyncset.done $0x0  }
0xa4: {  	s25 =	simm.s32 $0x1B8E;
	s24 =	sld [smem:$0x3FFE];
	[sflag:s23] =	ssyncadd.s32 $0xFFFFFFFF  }
0xa5: {  	s26 =	simm.s32 $execute0_lowered;
	[smem:$0x3FD2] =	sst s25  }
0xa6: {  	s5 =	sshll.u32 s26, $0x1;
	_ =	strace $0x80000046;
	[dreg:$0x1] =	wrdreg $0xFFFFFFFF  }
0xa7: {  	s28 =	simm.s32 $_size_execute0_lowered;
	s3 =	sadd.s32 s3, s5;
	[dreg:$0x0] =	wrdreg $0x0  }
0xa8: {  	s5 =	sshll.u32 s28, $0x1;
	[dreg:$0x2] =	wrdreg s3  }
0xa9: {  	[dreg:$0x3] =	wrdreg s5  }
0xaa: {  	[dreg:$0x4] =	wrdreg $0xC0  }
0xab: {  	_ =	task [dreg:s7], $0x5FFFF  }
0xac: {  	[dreg:$0x1] =	wrdreg $0xFFFFFFFF  }
0xad: {  	[dreg:$0x0] =	wrdreg $0x60  }
0xae: {  	[dreg:$0x2] =	wrdreg s24  }
0xaf: {  	[dreg:$0x3] =	wrdreg s2  }
0xb0: {  	[dreg:$0x4] =	wrdreg $0x9  }
0xb1: {  	_ =	task.clear_ibuf [dreg:s7], $0x5FFFF;
	_ =	strace $0x90000046  }
0xb2: {  	s29 =	simm.s32 $0x9;
	_ =	strace $0x80000048  }
0xb3: {  	_ =	swait.ge [sflag:s29], $0x1  }
0xb4: {  	[sflag:s29] =	ssyncadd.s32 $0xFFFFFFFF  }
0xb5: {  	_ =	strace $0x90000048  }
0xb6: {  	_ =	sfence  }
0xb7: {  	s30 =	sld [smem:$0x0];
	_ =	sdelay $0x2  }
0xb8: {  	s31 =	sshll.u32 s1, $0xD;
	s1 =	sshrl.u32 s1, $0x2  }
0xb9: {  	s3 =	sand.u32 $0x4000, s31;
	s1 =	sadd.s32 s1, s30  }
0xba: {  	s0 =	sor.u32 s3, s0;
	s1 =	sshll.u32 s1, $0x11  }
0xbb: {  	s0 =	sor.u32 s1, s0  }
0xbc: {  	s0 =	sadd.s32 $0x8F2B, s0  }
0xbd: {  	[sflag:s0] =	ssyncadd.remote.s32 $0x1  }
0xbe: {  	_ =	sfence.sel $0xFFFF  }
0xbf: {  	[dreg:$0x0] =	wrdreg $0xFFFFFFFF;
	(pc) =	sbr.abs _section_cstart, $3  }
0xc0: {  	[dreg:$0x1] =	wrdreg $0xFFFFFFFF  }
0xc1: {  	_ =	task.clear_ibuf [dreg:s7], $0x2FFFF;
	_ =	strace $0x9FFFFFFF  }
0xc2: {  	(tm) =	ssettm $0x7FFFFFFF  }
0xc3: {  	_ =	shalt  }
tec
execute0_lowered:
.L_overlay_start_1:
0x0: {  	(tag) =	ssettag $0x1  }
0x1: {  	s0 =	srdreg.scid;
	s3 =	rddreg [dreg:$0x0]  }
0x2: {  	s1 =	stileid.u32;
	s4 =	rddreg [dreg:$0x1];
	s2 =	simm.s32 $0x0  }
0x3: {  	s8 =	simm.s32 $0x3;
	s9 =	simm.s32 $0x5;
	s10 =	simm.s32 $0x6  }
0x4: {  	s15 =	simm.s32 $0x180;
	s12 =	simm.s32 $0x980;
	s13 =	simm.s32 $0x1180  }
0x5: {  	s14 =	simm.s32 $0x1980;
	s16 =	simm.s32 $0x2180;
	s17 =	simm.s32 $0x2980  }
0x6: {  	s18 =	simm.s32 $0x3180;
	s19 =	simm.s32 $0x3980;
	s20 =	simm.s32 $0x4980  }
0x7: {  	s21 =	simm.s32 $0x5180;
	s0 =	sand.u32 $0x1, s0;
	s1 =	sshll.u32 s1, $0x1  }
0x8: {  	s28 =	simm.s32 $0x7180;
	s29 =	simm.s32 $0x7980;
	s1 =	sor.u32 s0, s1  }
0x9: {  	s30 =	simm.s32 $0x8980;
	s31 =	simm.s32 $0x9180;
	s5 =	smul.u32 $0x30, s1  }
0xa: {  	[smem:$0x7FF] =	sst s2;
	s0 =	ssub.s32 $0x2, s0;
	s6 =	smul.u32 $0x3000, s1  }
0xb: {  	_ =	strace $0x80000047;
	s1 =	smul.u32 $0x18000, s1;
	s25 =	sshrl.u32 s0, $0x1  }
0xc: {  	s0 =	ssub.s32 s0, s25;
	s5 =	sadd.s32 s5, s3;
	s6 =	sadd.s32 s4, s6  }
0xd: {  	s1 =	sshrl.u32 s1, $0x3;
	s5 =	sadd.s32 $0x1600, s5;
	[dreg:$0x9] =	wrdreg s6  }
0xe: {  	s22 =	sadd.s32 $0x800, s6;
	s1 =	sadd.s32 s4, s1;
	[dreg:$0x3] =	wrdreg s5  }
0xf: {  	s25 =	simm.s32 $0x6180;
	[dreg:$0x4] =	wrdreg s22;
	s23 =	sadd.s32 $0x1000, s1  }
0x10: {  	s4 =	sadd.s32 $0x1C00, s3;
	s24 =	sadd.s32 $0x1800, s1;
	[dreg:$0x5] =	wrdreg s23  }
0x11: {  	s6 =	simm.s32 $0x2;
	s26 =	sadd.s32 $0x2000, s1;
	[dreg:$0x6] =	wrdreg s24  }
0x12: {  	v2 =	vlaneseq.u32;
	s3 =	simm.s32 $0x4;
	s1 =	sadd.s32 $0x2800, s1;
	[dreg:$0x7] =	wrdreg s26  }
0x13: {  	vm0 =	vmmov $0xffff;
	v1 =	vshrl.u32 v2, $0x3;
	s5 =	smax.u32 s0, $0x1;
	s22 =	simm.s32 $0x5980;
	[dreg:$0x8] =	wrdreg s1  }
0x14: {  	v0 =	vand.u32 $0x7, v2;
	v2 =	vor.u32 $0x8, v2;
	v1 =	vmul.u32 $0x8, v1;
	s24 =	simm.s32 $0x4180;
	s26 =	simm.s32 $0x6980;
	s23 =	simm.s32 $0x8180  }
.LBB2_1:
0x15: {  	s11 =	rddreg [dreg:$0x3];
	s1 =	simm.s32 $0x7  }
0x16: {  	[tilespmem:s2], [sflag:$0x7] =	stream.linear.gather [hbm4b:s11+s2], $0x180, $0x38;
	[tilespmem:$0xC180] =	vst v63  }
0x17: {  	_ =	swait.ge [sflag:s1], $0x180  }
0x18: {  	[sflag:s1] =	ssyncset.done $0x0  }
0x19: {  	[sflag:s1] =	ssyncadd.s32 $0xFFFFFE80  }
0x1a: {  	v3 =	vld [tilespmem:$0x0];
	_ =	sdelay $0x4  }
0x1b: {  	v4 =	vshll.u32 v3, $0x1  }
0x1c: {  	v3 =	vand.u32 $0x7, v3;
	v4 =	vand.u32 $0xFFFFFFF0, v4  }
0x1d: {  	v3 =	vor.u32 v3, v4  }
0x1e: {  	v4 =	vperm.xlane v3, v0;
	_ =	sdelay $0x1  }
0x1f: {  	v3 =	vperm.xlane v3, v2;
	v4 =	vadd.s32 v1, v4;
	_ =	sdelay $0x1  }
0x20: {  	v3 =	vadd.s32 v1, v3;
	_ =	sdelay $0x2  }
0x21: {  	[tilespmem:s15], [sflag:$0x1] =	stream.indirect_vreg.gather [hbm4b:s4+s2], $0x80, v4, vm0, $0xb8;
	[tilespmem:$0xC180] =	vst v63  }
0x22: {  	_ = 	snop  }
0x23: {  	[tilespmem:s12], [sflag:$0x1] =	stream.indirect_vreg.gather [hbm4b:s4+s2], $0x80, v3, vm0, $0xb8;
	[tilespmem:$0xC180] =	vst v63  }
0x24: {  	v3 =	vld [tilespmem:$0x10];
	_ =	sdelay $0x4  }
0x25: {  	v41 =	vshll.u32 v3, $0x1  }
0x26: {  	v3 =	vand.u32 $0x7, v3;
	v4 =	vand.u32 $0xFFFFFFF0, v41  }
0x27: {  	v3 =	vor.u32 v3, v4  }
0x28: {  	v4 =	vperm.xlane v3, v0;
	_ =	sdelay $0x1  }
0x29: {  	v3 =	vperm.xlane v3, v2;
	v4 =	vadd.s32 v1, v4;
	_ =	sdelay $0x1  }
0x2a: {  	v3 =	vadd.s32 v1, v3;
	_ =	sdelay $0x2  }
0x2b: {  	[tilespmem:s13], [sflag:$0x1] =	stream.indirect_vreg.gather [hbm4b:s4+s2], $0x80, v4, vm0, $0xb8;
	[tilespmem:$0xC180] =	vst v63  }
0x2c: {  	_ = 	snop  }
0x2d: {  	[tilespmem:s14], [sflag:$0x1] =	stream.indirect_vreg.gather [hbm4b:s4+s2], $0x80, v3, vm0, $0xb8;
	[tilespmem:$0xC180] =	vst v63  }
0x2e: {  	v3 =	vld [tilespmem:$0x20];
	_ =	sdelay $0x4  }
0x2f: {  	v42 =	vshll.u32 v3, $0x1  }
0x30: {  	v3 =	vand.u32 $0x7, v3;
	v4 =	vand.u32 $0xFFFFFFF0, v42  }
0x31: {  	v3 =	vor.u32 v3, v4  }
0x32: {  	v4 =	vperm.xlane v3, v0;
	_ =	sdelay $0x1  }
0x33: {  	v3 =	vperm.xlane v3, v2;
	v4 =	vadd.s32 v1, v4;
	_ =	sdelay $0x1  }
0x34: {  	v3 =	vadd.s32 v1, v3;
	_ =	sdelay $0x2  }
0x35: {  	[tilespmem:s16], [sflag:$0x1] =	stream.indirect_vreg.gather [hbm4b:s4+s2], $0x80, v4, vm0, $0xb8;
	[tilespmem:$0xC180] =	vst v63  }
0x36: {  	_ = 	snop  }
0x37: {  	[tilespmem:s17], [sflag:$0x1] =	stream.indirect_vreg.gather [hbm4b:s4+s2], $0x80, v3, vm0, $0xb8;
	[tilespmem:$0xC180] =	vst v63  }
0x38: {  	v3 =	vld [tilespmem:$0x30];
	_ =	sdelay $0x4  }
0x39: {  	v43 =	vshll.u32 v3, $0x1  }
0x3a: {  	v3 =	vand.u32 $0x7, v3;
	v4 =	vand.u32 $0xFFFFFFF0, v43  }
0x3b: {  	v3 =	vor.u32 v3, v4  }
0x3c: {  	v4 =	vperm.xlane v3, v0;
	_ =	sdelay $0x1  }
0x3d: {  	v3 =	vperm.xlane v3, v2;
	v4 =	vadd.s32 v1, v4;
	_ =	sdelay $0x1  }
0x3e: {  	v3 =	vadd.s32 v1, v3;
	_ =	sdelay $0x2  }
0x3f: {  	[tilespmem:s18], [sflag:$0x1] =	stream.indirect_vreg.gather [hbm4b:s4+s2], $0x80, v4, vm0, $0xb8;
	[tilespmem:$0xC180] =	vst v63  }
0x40: {  	_ = 	snop  }
0x41: {  	[tilespmem:s19], [sflag:$0x1] =	stream.indirect_vreg.gather [hbm4b:s4+s2], $0x80, v3, vm0, $0xb8;
	[tilespmem:$0xC180] =	vst v63  }
0x42: {  	v3 =	vld [tilespmem:$0x40];
	_ =	sdelay $0x4  }
0x43: {  	v44 =	vshll.u32 v3, $0x1  }
0x44: {  	v3 =	vand.u32 $0x7, v3;
	v4 =	vand.u32 $0xFFFFFFF0, v44  }
0x45: {  	v3 =	vor.u32 v3, v4  }
0x46: {  	v4 =	vperm.xlane v3, v0;
	_ =	sdelay $0x1  }
0x47: {  	v3 =	vperm.xlane v3, v2;
	v4 =	vadd.s32 v1, v4;
	_ =	sdelay $0x1  }
0x48: {  	v3 =	vadd.s32 v1, v3;
	_ =	sdelay $0x2  }
0x49: {  	[tilespmem:s24], [sflag:$0x2] =	stream.indirect_vreg.gather [hbm4b:s4+s2], $0x80, v4, vm0, $0xb8;
	[tilespmem:$0xC180] =	vst v63  }
0x4a: {  	_ = 	snop  }
0x4b: {  	[tilespmem:s20], [sflag:$0x2] =	stream.indirect_vreg.gather [hbm4b:s4+s2], $0x80, v3, vm0, $0xb8;
	[tilespmem:$0xC180] =	vst v63  }
0x4c: {  	v3 =	vld [tilespmem:$0x50];
	_ =	sdelay $0x4  }
0x4d: {  	v45 =	vshll.u32 v3, $0x1  }
0x4e: {  	v3 =	vand.u32 $0x7, v3;
	v4 =	vand.u32 $0xFFFFFFF0, v45  }
0x4f: {  	v3 =	vor.u32 v3, v4  }
0x50: {  	v4 =	vperm.xlane v3, v0;
	_ =	sdelay $0x1  }
0x51: {  	v3 =	vperm.xlane v3, v2;
	v4 =	vadd.s32 v1, v4;
	_ =	sdelay $0x1  }
0x52: {  	v3 =	vadd.s32 v1, v3;
	_ =	sdelay $0x2  }
0x53: {  	[tilespmem:s21], [sflag:$0x2] =	stream.indirect_vreg.gather [hbm4b:s4+s2], $0x80, v4, vm0, $0xb8;
	[tilespmem:$0xC180] =	vst v63  }
0x54: {  	_ = 	snop  }
0x55: {  	[tilespmem:s22], [sflag:$0x2] =	stream.indirect_vreg.gather [hbm4b:s4+s2], $0x80, v3, vm0, $0xb8;
	[tilespmem:$0xC180] =	vst v63  }
0x56: {  	v3 =	vld [tilespmem:$0x60];
	_ =	sdelay $0x4  }
0x57: {  	v46 =	vshll.u32 v3, $0x1  }
0x58: {  	v3 =	vand.u32 $0x7, v3;
	v4 =	vand.u32 $0xFFFFFFF0, v46  }
0x59: {  	v3 =	vor.u32 v3, v4  }
0x5a: {  	v4 =	vperm.xlane v3, v0;
	_ =	sdelay $0x1  }
0x5b: {  	v3 =	vperm.xlane v3, v2;
	v4 =	vadd.s32 v1, v4;
	_ =	sdelay $0x1  }
0x5c: {  	v3 =	vadd.s32 v1, v3;
	_ =	sdelay $0x2  }
0x5d: {  	[tilespmem:s25], [sflag:$0x2] =	stream.indirect_vreg.gather [hbm4b:s4+s2], $0x80, v4, vm0, $0xb8;
	[tilespmem:$0xC180] =	vst v63  }
0x5e: {  	_ = 	snop  }
0x5f: {  	[tilespmem:s26], [sflag:$0x2] =	stream.indirect_vreg.gather [hbm4b:s4+s2], $0x80, v3, vm0, $0xb8;
	[tilespmem:$0xC180] =	vst v63  }
0x60: {  	v3 =	vld [tilespmem:$0x70];
	_ =	sdelay $0x4  }
0x61: {  	v47 =	vshll.u32 v3, $0x1  }
0x62: {  	v3 =	vand.u32 $0x7, v3;
	v4 =	vand.u32 $0xFFFFFFF0, v47  }
0x63: {  	v3 =	vor.u32 v3, v4  }
0x64: {  	v4 =	vperm.xlane v3, v0;
	_ =	sdelay $0x1  }
0x65: {  	v3 =	vperm.xlane v3, v2;
	v4 =	vadd.s32 v1, v4;
	_ =	sdelay $0x1  }
0x66: {  	v3 =	vadd.s32 v1, v3;
	_ =	sdelay $0x2  }
0x67: {  	[tilespmem:s28], [sflag:$0x2] =	stream.indirect_vreg.gather [hbm4b:s4+s2], $0x80, v4, vm0, $0xb8;
	[tilespmem:$0xC180] =	vst v63  }
0x68: {  	s0 =	simm.s32 $0x1  }
0x69: {  	[tilespmem:s29], [sflag:$0x2] =	stream.indirect_vreg.gather [hbm4b:s4+s2], $0x80, v3, vm0, $0xb8;
	[tilespmem:$0xC180] =	vst v63  }
0x6a: {  	_ =	swait.ge [sflag:s0], $0x4000  }
0x6b: {  	[sflag:s0] =	ssyncset.done $0x0  }
0x6c: {  	s7 =	rddreg [dreg:$0x9];
	[sflag:s0] =	ssyncadd.s32 $0xFFFFC000  }
0x6d: {  	[hbm4b:s7+s2] =	stream.linear.scatter [tilespmem:s15], [sflag:$0x4], $0x4000, $0x38;
	[tilespmem:$0xC180] =	vst v63  }
0x6e: {  	v3 =	vld [tilespmem:$0x80];
	_ =	sdelay $0x4  }
0x6f: {  	v48 =	vshll.u32 v3, $0x1  }
0x70: {  	v3 =	vand.u32 $0x7, v3;
	v4 =	vand.u32 $0xFFFFFFF0, v48  }
0x71: {  	v3 =	vor.u32 v3, v4  }
0x72: {  	v4 =	vperm.xlane v3, v0;
	_ =	sdelay $0x1  }
0x73: {  	v3 =	vperm.xlane v3, v2;
	v4 =	vadd.s32 v1, v4;
	_ =	sdelay $0x1  }
0x74: {  	v3 =	vadd.s32 v1, v3;
	_ =	sdelay $0x2  }
0x75: {  	[tilespmem:s23], [sflag:$0x3] =	stream.indirect_vreg.gather [hbm4b:s4+s2], $0x80, v4, vm0, $0xb8;
	[tilespmem:$0xC180] =	vst v63  }
0x76: {  	_ = 	snop  }
0x77: {  	[tilespmem:s30], [sflag:$0x3] =	stream.indirect_vreg.gather [hbm4b:s4+s2], $0x80, v3, vm0, $0xb8;
	[tilespmem:$0xC180] =	vst v63  }
0x78: {  	v3 =	vld [tilespmem:$0x90];
	_ =	sdelay $0x4  }
0x79: {  	v49 =	vshll.u32 v3, $0x1  }
0x7a: {  	v3 =	vand.u32 $0x7, v3;
	v4 =	vand.u32 $0xFFFFFFF0, v49  }
0x7b: {  	v3 =	vor.u32 v3, v4  }
0x7c: {  	v4 =	vperm.xlane v3, v0;
	_ =	sdelay $0x1  }
0x7d: {  	v3 =	vperm.xlane v3, v2;
	v4 =	vadd.s32 v1, v4;
	_ =	sdelay $0x1  }
0x7e: {  	v3 =	vadd.s32 v1, v3;
	_ =	sdelay $0x2  }
0x7f: {  	[tilespmem:s31], [sflag:$0x3] =	stream.indirect_vreg.gather [hbm4b:s4+s2], $0x80, v4, vm0, $0xb8;
	[tilespmem:$0xC180] =	vst v63  }
0x80: {  	s1 =	simm.s32 $0x9980  }
0x81: {  	[tilespmem:s1], [sflag:$0x3] =	stream.indirect_vreg.gather [hbm4b:s4+s2], $0x80, v3, vm0, $0xb8;
	[tilespmem:$0xC180] =	vst v63  }
0x82: {  	v3 =	vld [tilespmem:$0xA0];
	_ =	sdelay $0x4  }
0x83: {  	v50 =	vshll.u32 v3, $0x1  }
0x84: {  	v3 =	vand.u32 $0x7, v3;
	v4 =	vand.u32 $0xFFFFFFF0, v50  }
0x85: {  	v3 =	vor.u32 v3, v4  }
0x86: {  	v4 =	vperm.xlane v3, v0;
	_ =	sdelay $0x1  }
0x87: {  	v3 =	vperm.xlane v3, v2;
	v4 =	vadd.s32 v1, v4;
	_ =	sdelay $0x1  }
0x88: {  	v3 =	vadd.s32 v1, v3;
	_ =	sdelay $0x1  }
0x89: {  	s7 =	simm.s32 $0xA180  }
0x8a: {  	[tilespmem:s7], [sflag:$0x3] =	stream.indirect_vreg.gather [hbm4b:s4+s2], $0x80, v4, vm0, $0xb8;
	[tilespmem:$0xC180] =	vst v63  }
0x8b: {  	s7 =	simm.s32 $0xA980  }
0x8c: {  	[tilespmem:s7], [sflag:$0x3] =	stream.indirect_vreg.gather [hbm4b:s4+s2], $0x80, v3, vm0, $0xb8;
	[tilespmem:$0xC180] =	vst v63  }
0x8d: {  	v3 =	vld [tilespmem:$0xB0];
	_ =	sdelay $0x4  }
0x8e: {  	v51 =	vshll.u32 v3, $0x1  }
0x8f: {  	v3 =	vand.u32 $0x7, v3;
	v4 =	vand.u32 $0xFFFFFFF0, v51  }
0x90: {  	v3 =	vor.u32 v3, v4  }
0x91: {  	v4 =	vperm.xlane v3, v0;
	_ =	sdelay $0x1  }
0x92: {  	v3 =	vperm.xlane v3, v2;
	v4 =	vadd.s32 v1, v4;
	_ =	sdelay $0x1  }
0x93: {  	v3 =	vadd.s32 v1, v3;
	_ =	sdelay $0x1  }
0x94: {  	s11 =	simm.s32 $0xB180  }
0x95: {  	[tilespmem:s11], [sflag:$0x3] =	stream.indirect_vreg.gather [hbm4b:s4+s2], $0x80, v4, vm0, $0xb8;
	[tilespmem:$0xC180] =	vst v63  }
0x96: {  	s11 =	simm.s32 $0xB980  }
0x97: {  	[tilespmem:s11], [sflag:$0x3] =	stream.indirect_vreg.gather [hbm4b:s4+s2], $0x80, v3, vm0, $0xb8;
	[tilespmem:$0xC180] =	vst v63  }
0x98: {  	_ =	swait.ge [sflag:s6], $0x4000  }
0x99: {  	[sflag:s6] =	ssyncset.done $0x0  }
0x9a: {  	s11 =	rddreg [dreg:$0x4];
	[sflag:s6] =	ssyncadd.s32 $0xFFFFC000  }
0x9b: {  	[hbm4b:s11+s2] =	stream.linear.scatter [tilespmem:s24], [sflag:$0x5], $0x4000, $0x38;
	[tilespmem:$0xC180] =	vst v63  }
0x9c: {  	_ =	swait.ge [sflag:s3], $0x4000  }
0x9d: {  	[sflag:s3] =	ssyncset.done $0x0  }
0x9e: {  	[sflag:s3] =	ssyncadd.s32 $0xFFFFC000  }
0x9f: {  	v3 =	vld [tilespmem:$0xC0];
	_ =	sdelay $0x4  }
0xa0: {  	v52 =	vshll.u32 v3, $0x1  }
0xa1: {  	v3 =	vand.u32 $0x7, v3;
	v4 =	vand.u32 $0xFFFFFFF0, v52  }
0xa2: {  	v3 =	vor.u32 v3, v4  }
0xa3: {  	v4 =	vperm.xlane v3, v0;
	_ =	sdelay $0x1  }
0xa4: {  	v3 =	vperm.xlane v3, v2;
	v4 =	vadd.s32 v1, v4;
	_ =	sdelay $0x1  }
0xa5: {  	v3 =	vadd.s32 v1, v3;
	_ =	sdelay $0x2  }
0xa6: {  	[tilespmem:s15], [sflag:$0x1] =	stream.indirect_vreg.gather [hbm4b:s4+s2], $0x80, v4, vm0, $0xb8;
	[tilespmem:$0xC180] =	vst v63  }
0xa7: {  	_ = 	snop  }
0xa8: {  	[tilespmem:s12], [sflag:$0x1] =	stream.indirect_vreg.gather [hbm4b:s4+s2], $0x80, v3, vm0, $0xb8;
	[tilespmem:$0xC180] =	vst v63  }
0xa9: {  	v3 =	vld [tilespmem:$0xD0];
	_ =	sdelay $0x4  }
0xaa: {  	v53 =	vshll.u32 v3, $0x1  }
0xab: {  	v3 =	vand.u32 $0x7, v3;
	v4 =	vand.u32 $0xFFFFFFF0, v53  }
0xac: {  	v3 =	vor.u32 v3, v4  }
0xad: {  	v4 =	vperm.xlane v3, v0;
	_ =	sdelay $0x1  }
0xae: {  	v3 =	vperm.xlane v3, v2;
	v4 =	vadd.s32 v1, v4;
	_ =	sdelay $0x1  }
0xaf: {  	v3 =	vadd.s32 v1, v3;
	_ =	sdelay $0x2  }
0xb0: {  	[tilespmem:s13], [sflag:$0x1] =	stream.indirect_vreg.gather [hbm4b:s4+s2], $0x80, v4, vm0, $0xb8;
	[tilespmem:$0xC180] =	vst v63  }
0xb1: {  	_ = 	snop  }
0xb2: {  	[tilespmem:s14], [sflag:$0x1] =	stream.indirect_vreg.gather [hbm4b:s4+s2], $0x80, v3, vm0, $0xb8;
	[tilespmem:$0xC180] =	vst v63  }
0xb3: {  	v3 =	vld [tilespmem:$0xE0];
	_ =	sdelay $0x4  }
0xb4: {  	v54 =	vshll.u32 v3, $0x1  }
0xb5: {  	v3 =	vand.u32 $0x7, v3;
	v4 =	vand.u32 $0xFFFFFFF0, v54  }
0xb6: {  	v3 =	vor.u32 v3, v4  }
0xb7: {  	v4 =	vperm.xlane v3, v0;
	_ =	sdelay $0x1  }
0xb8: {  	v3 =	vperm.xlane v3, v2;
	v4 =	vadd.s32 v1, v4;
	_ =	sdelay $0x1  }
0xb9: {  	v3 =	vadd.s32 v1, v3;
	_ =	sdelay $0x2  }
0xba: {  	[tilespmem:s16], [sflag:$0x1] =	stream.indirect_vreg.gather [hbm4b:s4+s2], $0x80, v4, vm0, $0xb8;
	[tilespmem:$0xC180] =	vst v63  }
0xbb: {  	_ = 	snop  }
0xbc: {  	[tilespmem:s17], [sflag:$0x1] =	stream.indirect_vreg.gather [hbm4b:s4+s2], $0x80, v3, vm0, $0xb8;
	[tilespmem:$0xC180] =	vst v63  }
0xbd: {  	v3 =	vld [tilespmem:$0xF0];
	_ =	sdelay $0x4  }
0xbe: {  	v55 =	vshll.u32 v3, $0x1  }
0xbf: {  	v3 =	vand.u32 $0x7, v3;
	v4 =	vand.u32 $0xFFFFFFF0, v55  }
0xc0: {  	v3 =	vor.u32 v3, v4  }
0xc1: {  	v4 =	vperm.xlane v3, v0;
	_ =	sdelay $0x1  }
0xc2: {  	v3 =	vperm.xlane v3, v2;
	v4 =	vadd.s32 v1, v4;
	_ =	sdelay $0x1  }
0xc3: {  	v3 =	vadd.s32 v1, v3;
	_ =	sdelay $0x2  }
0xc4: {  	[tilespmem:s18], [sflag:$0x1] =	stream.indirect_vreg.gather [hbm4b:s4+s2], $0x80, v4, vm0, $0xb8;
	[tilespmem:$0xC180] =	vst v63  }
0xc5: {  	_ = 	snop  }
0xc6: {  	[tilespmem:s19], [sflag:$0x1] =	stream.indirect_vreg.gather [hbm4b:s4+s2], $0x80, v3, vm0, $0xb8;
	[tilespmem:$0xC180] =	vst v63  }
0xc7: {  	_ =	swait.ge [sflag:s8], $0x4000  }
0xc8: {  	[sflag:s8] =	ssyncset.done $0x0  }
0xc9: {  	s11 =	rddreg [dreg:$0x5];
	[sflag:s8] =	ssyncadd.s32 $0xFFFFC000  }
0xca: {  	[hbm4b:s11+s2] =	stream.linear.scatter [tilespmem:s23], [sflag:$0x6], $0x4000, $0x38;
	[tilespmem:$0xC180] =	vst v63  }
0xcb: {  	_ =	swait.ge [sflag:s9], $0x4000  }
0xcc: {  	[sflag:s9] =	ssyncset.done $0x0  }
0xcd: {  	[sflag:s9] =	ssyncadd.s32 $0xFFFFC000  }
0xce: {  	v3 =	vld [tilespmem:$0x100];
	_ =	sdelay $0x4  }
0xcf: {  	v56 =	vshll.u32 v3, $0x1  }
0xd0: {  	v3 =	vand.u32 $0x7, v3;
	v4 =	vand.u32 $0xFFFFFFF0, v56  }
0xd1: {  	v3 =	vor.u32 v3, v4  }
0xd2: {  	v4 =	vperm.xlane v3, v0;
	_ =	sdelay $0x1  }
0xd3: {  	v3 =	vperm.xlane v3, v2;
	v4 =	vadd.s32 v1, v4;
	_ =	sdelay $0x1  }
0xd4: {  	v3 =	vadd.s32 v1, v3;
	_ =	sdelay $0x2  }
0xd5: {  	[tilespmem:s24], [sflag:$0x2] =	stream.indirect_vreg.gather [hbm4b:s4+s2], $0x80, v4, vm0, $0xb8;
	[tilespmem:$0xC180] =	vst v63  }
0xd6: {  	_ = 	snop  }
0xd7: {  	[tilespmem:s20], [sflag:$0x2] =	stream.indirect_vreg.gather [hbm4b:s4+s2], $0x80, v3, vm0, $0xb8;
	[tilespmem:$0xC180] =	vst v63  }
0xd8: {  	v3 =	vld [tilespmem:$0x110];
	_ =	sdelay $0x4  }
0xd9: {  	v57 =	vshll.u32 v3, $0x1  }
0xda: {  	v3 =	vand.u32 $0x7, v3;
	v4 =	vand.u32 $0xFFFFFFF0, v57  }
0xdb: {  	v3 =	vor.u32 v3, v4  }
0xdc: {  	v4 =	vperm.xlane v3, v0;
	_ =	sdelay $0x1  }
0xdd: {  	v3 =	vperm.xlane v3, v2;
	v4 =	vadd.s32 v1, v4;
	_ =	sdelay $0x1  }
0xde: {  	v3 =	vadd.s32 v1, v3;
	_ =	sdelay $0x2  }
0xdf: {  	[tilespmem:s21], [sflag:$0x2] =	stream.indirect_vreg.gather [hbm4b:s4+s2], $0x80, v4, vm0, $0xb8;
	[tilespmem:$0xC180] =	vst v63  }
0xe0: {  	_ = 	snop  }
0xe1: {  	[tilespmem:s22], [sflag:$0x2] =	stream.indirect_vreg.gather [hbm4b:s4+s2], $0x80, v3, vm0, $0xb8;
	[tilespmem:$0xC180] =	vst v63  }
0xe2: {  	v3 =	vld [tilespmem:$0x120];
	_ =	sdelay $0x4  }
0xe3: {  	v58 =	vshll.u32 v3, $0x1  }
0xe4: {  	v3 =	vand.u32 $0x7, v3;
	v4 =	vand.u32 $0xFFFFFFF0, v58  }
0xe5: {  	v3 =	vor.u32 v3, v4  }
0xe6: {  	v4 =	vperm.xlane v3, v0;
	_ =	sdelay $0x1  }
0xe7: {  	v3 =	vperm.xlane v3, v2;
	v4 =	vadd.s32 v1, v4;
	_ =	sdelay $0x1  }
0xe8: {  	v3 =	vadd.s32 v1, v3;
	_ =	sdelay $0x2  }
0xe9: {  	[tilespmem:s25], [sflag:$0x2] =	stream.indirect_vreg.gather [hbm4b:s4+s2], $0x80, v4, vm0, $0xb8;
	[tilespmem:$0xC180] =	vst v63  }
0xea: {  	_ = 	snop  }
0xeb: {  	[tilespmem:s26], [sflag:$0x2] =	stream.indirect_vreg.gather [hbm4b:s4+s2], $0x80, v3, vm0, $0xb8;
	[tilespmem:$0xC180] =	vst v63  }
0xec: {  	v3 =	vld [tilespmem:$0x130];
	_ =	sdelay $0x4  }
0xed: {  	v59 =	vshll.u32 v3, $0x1  }
0xee: {  	v3 =	vand.u32 $0x7, v3;
	v4 =	vand.u32 $0xFFFFFFF0, v59  }
0xef: {  	v3 =	vor.u32 v3, v4  }
0xf0: {  	v4 =	vperm.xlane v3, v0;
	_ =	sdelay $0x1  }
0xf1: {  	v3 =	vperm.xlane v3, v2;
	v4 =	vadd.s32 v1, v4;
	_ =	sdelay $0x1  }
0xf2: {  	v3 =	vadd.s32 v1, v3;
	_ =	sdelay $0x2  }
0xf3: {  	[tilespmem:s28], [sflag:$0x2] =	stream.indirect_vreg.gather [hbm4b:s4+s2], $0x80, v4, vm0, $0xb8;
	[tilespmem:$0xC180] =	vst v63  }
0xf4: {  	_ = 	snop  }
0xf5: {  	[tilespmem:s29], [sflag:$0x2] =	stream.indirect_vreg.gather [hbm4b:s4+s2], $0x80, v3, vm0, $0xb8;
	[tilespmem:$0xC180] =	vst v63  }
0xf6: {  	_ =	swait.ge [sflag:s0], $0x4000  }
0xf7: {  	[sflag:s0] =	ssyncset.done $0x0  }
0xf8: {  	s11 =	rddreg [dreg:$0x6];
	[sflag:s0] =	ssyncadd.s32 $0xFFFFC000  }
0xf9: {  	[hbm4b:s11+s2] =	stream.linear.scatter [tilespmem:s15], [sflag:$0x4], $0x4000, $0x38;
	[tilespmem:$0xC180] =	vst v63  }
0xfa: {  	_ =	swait.ge [sflag:s10], $0x4000  }
0xfb: {  	[sflag:s10] =	ssyncset.done $0x0  }
0xfc: {  	[sflag:s10] =	ssyncadd.s32 $0xFFFFC000  }
0xfd: {  	v3 =	vld [tilespmem:$0x140];
	_ =	sdelay $0x4  }
0xfe: {  	v60 =	vshll.u32 v3, $0x1  }
0xff: {  	v3 =	vand.u32 $0x7, v3;
	v4 =	vand.u32 $0xFFFFFFF0, v60  }
0x100: {  	v3 =	vor.u32 v3, v4  }
0x101: {  	v4 =	vperm.xlane v3, v0;
	_ =	sdelay $0x1  }
0x102: {  	v3 =	vperm.xlane v3, v2;
	v4 =	vadd.s32 v1, v4;
	_ =	sdelay $0x1  }
0x103: {  	v3 =	vadd.s32 v1, v3;
	_ =	sdelay $0x2  }
0x104: {  	[tilespmem:s23], [sflag:$0x3] =	stream.indirect_vreg.gather [hbm4b:s4+s2], $0x80, v4, vm0, $0xb8;
	[tilespmem:$0xC180] =	vst v63  }
0x105: {  	_ = 	snop  }
0x106: {  	[tilespmem:s30], [sflag:$0x3] =	stream.indirect_vreg.gather [hbm4b:s4+s2], $0x80, v3, vm0, $0xb8;
	[tilespmem:$0xC180] =	vst v63  }
0x107: {  	v3 =	vld [tilespmem:$0x150];
	_ =	sdelay $0x4  }
0x108: {  	v61 =	vshll.u32 v3, $0x1  }
0x109: {  	v3 =	vand.u32 $0x7, v3;
	v4 =	vand.u32 $0xFFFFFFF0, v61  }
0x10a: {  	v3 =	vor.u32 v3, v4  }
0x10b: {  	v4 =	vperm.xlane v3, v0;
	_ =	sdelay $0x1  }
0x10c: {  	v3 =	vperm.xlane v3, v2;
	v4 =	vadd.s32 v1, v4;
	_ =	sdelay $0x1  }
0x10d: {  	v3 =	vadd.s32 v1, v3;
	_ =	sdelay $0x2  }
0x10e: {  	[tilespmem:s31], [sflag:$0x3] =	stream.indirect_vreg.gather [hbm4b:s4+s2], $0x80, v4, vm0, $0xb8;
	[tilespmem:$0xC180] =	vst v63  }
0x10f: {  	_ = 	snop  }
0x110: {  	[tilespmem:s1], [sflag:$0x3] =	stream.indirect_vreg.gather [hbm4b:s4+s2], $0x80, v3, vm0, $0xb8;
	[tilespmem:$0xC180] =	vst v63  }
0x111: {  	v3 =	vld [tilespmem:$0x160];
	_ =	sdelay $0x4  }
0x112: {  	v62 =	vshll.u32 v3, $0x1  }
0x113: {  	v3 =	vand.u32 $0x7, v3;
	v4 =	vand.u32 $0xFFFFFFF0, v62  }
0x114: {  	v3 =	vor.u32 v3, v4  }
0x115: {  	v4 =	vperm.xlane v3, v0;
	_ =	sdelay $0x1  }
0x116: {  	v3 =	vperm.xlane v3, v2;
	v4 =	vadd.s32 v1, v4;
	_ =	sdelay $0x1  }
0x117: {  	v3 =	vadd.s32 v1, v3;
	_ =	sdelay $0x1  }
0x118: {  	s1 =	simm.s32 $0xA180  }
0x119: {  	[tilespmem:s1], [sflag:$0x3] =	stream.indirect_vreg.gather [hbm4b:s4+s2], $0x80, v4, vm0, $0xb8;
	[tilespmem:$0xC180] =	vst v63  }
0x11a: {  	_ = 	snop  }
0x11b: {  	[tilespmem:s7], [sflag:$0x3] =	stream.indirect_vreg.gather [hbm4b:s4+s2], $0x80, v3, vm0, $0xb8;
	[tilespmem:$0xC180] =	vst v63  }
0x11c: {  	v3 =	vld [tilespmem:$0x170];
	_ =	sdelay $0x4  }
0x11d: {  	v63 =	vshll.u32 v3, $0x1  }
0x11e: {  	v3 =	vand.u32 $0x7, v3;
	v4 =	vand.u32 $0xFFFFFFF0, v63  }
0x11f: {  	v3 =	vor.u32 v3, v4  }
0x120: {  	v4 =	vperm.xlane v3, v0;
	_ =	sdelay $0x1  }
0x121: {  	v3 =	vperm.xlane v3, v2;
	v4 =	vadd.s32 v1, v4;
	_ =	sdelay $0x1  }
0x122: {  	v3 =	vadd.s32 v1, v3;
	_ =	sdelay $0x1  }
0x123: {  	s7 =	simm.s32 $0xB180  }
0x124: {  	[tilespmem:s7], [sflag:$0x3] =	stream.indirect_vreg.gather [hbm4b:s4+s2], $0x80, v4, vm0, $0xb8;
	[tilespmem:$0xC180] =	vst v63  }
0x125: {  	s11 =	simm.s32 $0xB980  }
0x126: {  	[tilespmem:s11], [sflag:$0x3] =	stream.indirect_vreg.gather [hbm4b:s4+s2], $0x80, v3, vm0, $0xb8;
	[tilespmem:$0xC180] =	vst v63  }
0x127: {  	_ =	swait.ge [sflag:s6], $0x4000  }
0x128: {  	[sflag:s6] =	ssyncset.done $0x0  }
0x129: {  	s1 =	rddreg [dreg:$0x7];
	[sflag:s6] =	ssyncadd.s32 $0xFFFFC000  }
0x12a: {  	[hbm4b:s1+s2] =	stream.linear.scatter [tilespmem:s24], [sflag:$0x5], $0x4000, $0x38;
	[tilespmem:$0xC180] =	vst v63  }
0x12b: {  	_ =	swait.ge [sflag:s8], $0x4000  }
0x12c: {  	[sflag:s8] =	ssyncset.done $0x0  }
0x12d: {  	s7 =	rddreg [dreg:$0x8];
	[sflag:s8] =	ssyncadd.s32 $0xFFFFC000  }
0x12e: {  	[hbm4b:s7+s2] =	stream.linear.scatter [tilespmem:s23], [sflag:$0x6], $0x4000, $0x38;
	[tilespmem:$0xC180] =	vst v63  }
0x12f: {  	_ =	swait.ge [sflag:s3], $0x4000  }
0x130: {  	[sflag:s3] =	ssyncset.done $0x0  }
0x131: {  	[sflag:s3] =	ssyncadd.s32 $0xFFFFC000  }
0x132: {  	p0 =	sne.s32 s5, $0x1;
	_ =	swait.ge [sflag:s9], $0x4000  }
.Ltmp0:
0x133: {  	[sflag:s9] =	ssyncset.done $0x0;
	(pc) =	sbr.rel @p0 .LBB2_1-.Ltmp0, $4  }
0x134: {  	[sflag:s9] =	ssyncadd.s32 $0xFFFFC000  }
0x135: {  	_ =	swait.ge [sflag:s10], $0x4000  }
0x136: {  	[sflag:s10] =	ssyncset.done $0x0  }
0x137: {  	s5 =	sadd.s32 $0xFFFFFFFF, s5;
	[sflag:s10] =	ssyncadd.s32 $0xFFFFC000  }
0x138: {  	_ =	sfence.sel $0x180000  }
0x139: {  	[bflag:$0x0] =	sbarrier.arrive $0xFFFF  }
0x13a: {  	_ =	strace $0x90000047  }
0x13b: {  	s0 =	stileid.u32;
	[bflag:$0x2] =	sbarrier.arrive $0xFFFF  }
0x13c: {  	p0 =	sne.s32 s0, $0x0;
	s0 =	rddreg [dreg:$0x2]  }
0x13d: {  	s0 =	sadd.s32 @!p0 $0x100000, s0  }
0x13e: {  	[sflag:s0] =	ssyncadd.tile.s32 @!p0 $0x1;
	_ =	shalt  }
.Lfunc_end2:
_tile_overlayer_lowered:
.L_overlay_start_2:
0x13f: {  	(tag) =	ssettag $0x2  }
0x140: {  	s0 =	rddreg [dreg:$0x0];
	s2 =	stileid.u32  }
0x141: {  	s1 =	rddreg [dreg:$0x1];
	p0 =	sne.s32 s2, $0x0  }
0x142: {  	s3 =	rddreg [dreg:$0x2];
	[bflag:$0x3] =	sbarrier.arrive $0xFFFF;
	s2 =	simm.s32 @!p0 $0x1C07  }
0x143: {  	[timem:s3], [sflag:s2] =	dma.local @!p0 [hbm:s0], s1  }
0x144: {  	s0 =	simm.s32 @!p0 $0x7  }
0x145: {  	_ =	swait.ge @!p0 [sflag:s0], s1  }
0x146: {  	s1 =	ssub.s32 @!p0 $0x0, s1;
	[sflag:s0] =	ssyncset.done @!p0 $0x0  }
0x147: {  	[sflag:s0] =	ssyncadd.s32 @!p0 s1  }
0x148: {  	[bflag:$0x3] =	sbarrier.arrive $0xFFFF  }
0x149: {  	_ =	shalt  }

// kernel: kernel.9.cloned.1.call-start
scs
__scs_entry_jumppad:
0x0: {  	(pc) =	sbr.rel $0x88, $3  }
0x1: {  	(tag) =	ssettag $0x0;
	lr =	simm.s32 $0x1  }
0x2: {  	[smem:$0x3F99] =	sst lr;
	_ =	strace $0xD0000000  }
0x3: {  	_ = 	snop  }
0x4: {  	_ = 	snop  }
0x5: {  	_ = 	snop  }
0x6: {  	_ = 	snop  }
0x7: {  	_ = 	snop  }
__scs_overlays_trampoline_lowered:
0x8: {  	[smem:$0x3FA8] =	sst s0  }
0x9: {  	[smem:$0x3FA9] =	sst s1  }
0xa: {  	[smem:$0x3FAA] =	sst s2  }
0xb: {  	[smem:$0x3FAB] =	sst s3  }
0xc: {  	[smem:$0x3FAC] =	sst s4  }
0xd: {  	[smem:$0x3FAD] =	sst s5  }
0xe: {  	[smem:$0x3FAE] =	sst s6  }
0xf: {  	[smem:$0x3FAF] =	sst s7  }
0x10: {  	[smem:$0x3FB0] =	sst s8  }
0x11: {  	[smem:$0x3FB1] =	sst s9;
	s0 =	simm.s32 @!p0 $0x0  }
0x12: {  	s1 =	sld [smem:$0x3F97];
	s0 =	simm.s32 @p0 $0x1  }
0x13: {  	[smem:$0x3FB2] =	sst s0;
	s0 =	simm.s32 @!p1 $0x0  }
0x14: {  	s2 =	sld [smem:$0x3F96];
	s0 =	simm.s32 @p1 $0x1  }
0x15: {  	[smem:$0x3FB3] =	sst s0;
	s0 =	simm.s32 @!p2 $0x0  }
0x16: {  	s3 =	sld [smem:$0x3FDB];
	s0 =	simm.s32 @p2 $0x1  }
0x17: {  	s4 =	simm.s32 $0x1BF5;
	[smem:$0x3FB5] =	sst s0  }
0x18: {  	s0 =	sld [smem:$0x3F98];
	_ =	swait.ge [sflag:s4], $0x0  }
0x19: {  	s7 =	sld [smem:$0x3F99]  }
0x1a: {  	s8 =	sadd.s32 $0xFFFFE003, lr  }
0x1b: {  	s9 =	sadd.s32 $0xFFFFFEF7, lr;
	s5 =	simm.s32 $0xFFFFFFFF;
	p2 =	slt.u32 s8, $0xFFFFF086  }
0x1c: {  	p1 =	slt.u32 s9, $0xF7A;
	s5 =	simm.s32 @!p2 $0x0  }
0x1d: {  	s5 =	simm.s32 @p1 $0x1;
	p0 =	seq.s32 s7, s2  }
0x1e: {  	s7 =	smul.u32 @!p0 $0xF7A, s2;
	p2 =	seq.s32 @!p0 s5, $0x0  }
0x1f: {  	s9 =	smul.u32 $0xF7A, s1;
	s8 =	simm.s32 @!p0 $0x1BF5;
	p2 =	por !p2, p0  }
0x20: {  	[sflag:s8] =	ssyncset.s32 @!p0 $0xFFFFF086;
	s6 =	sadd.s32 @!p0 s3, s7;
	s7 =	simm.s32 @!p0 $0x108  }
0x21: {  	s3 =	sadd.s32 s3, s9;
	s6 =	sadd.s32 @!p0 $0x88, s6;
	s7 =	simm.s32 @p2 $0x1082  }
0x22: {  	[simem:s7], [sflag:s8] =	dma.local @!p0 [hbm:s6], $0xF7A  }
0x23: {  	s9 =	sor.u32 $0xD0000000, s2;
	s6 =	simm.s32 $0x108;
	_ =	swait.ge @!p0 [sflag:s8], $0x0  }
0x24: {  	s3 =	sadd.s32 $0x88, s3;
	s6 =	simm.s32 @!p1 $0x1082;
	[sflag:s4] =	ssyncset.s32 $0xFFFFF086  }
0x25: {  	[simem:s6], [sflag:s4] =	dma.local [hbm:s3], $0xF7A  }
0x26: {  	[smem:$0x3F99] =	sst s1;
	(tag) =	ssettag s2;
	_ =	strace s9  }
0x27: {  	s1 =	sld [smem:$0x3FA9]  }
0x28: {  	s2 =	sld [smem:$0x3FAA]  }
0x29: {  	s4 =	sld [smem:$0x3FAC]  }
0x2a: {  	p0 =	seq.s32 s5, $0x0;
	s5 =	sld [smem:$0x3FAD]  }
0x2b: {  	s6 =	sld [smem:$0x3FAE]  }
0x2c: {  	s7 =	sld [smem:$0x3FAF]  }
0x2d: {  	s3 =	simm.s32 $0x108;
	s8 =	sld [smem:$0x3FB0]  }
0x2e: {  	s3 =	simm.s32 @!p0 $0x1082;
	s9 =	sld [smem:$0x3FB1]  }
0x2f: {  	lr =	sadd.s32 s0, s3;
	s0 =	sld [smem:$0x3FA8]  }
0x30: {  	s3 =	sld [smem:$0x3FAB]  }
0x31: {  	[smem:$0x3FB4] =	sst s10  }
0x32: {  	s10 =	sld [smem:$0x3FB2];
	_ =	sdelay $0x3  }
0x33: {  	p0 =	seq.s32 s10, $0x1;
	s10 =	sld [smem:$0x3FB4];
	_ =	sdelay $0x3  }
0x34: {  	[smem:$0x3FB4] =	sst s10  }
0x35: {  	s10 =	sld [smem:$0x3FB3];
	_ =	sdelay $0x3  }
0x36: {  	p1 =	seq.s32 s10, $0x1;
	s10 =	sld [smem:$0x3FB4];
	_ =	sdelay $0x3  }
0x37: {  	[smem:$0x3FB4] =	sst s10  }
0x38: {  	s10 =	sld [smem:$0x3FB5]  }
0x39: {  	_ = 	snop;
	(pc) =	sbr.ind lr, $3  }
0x3a: {  	_ = 	snop  }
0x3b: {  	_ = 	snop  }
0x3c: {  	p2 =	seq.s32 s10, $0x1;
	s10 =	sld [smem:$0x3FB4]  }
0x3d: {  	_ =	shalt  }
0x3e: {  	_ =	shalt  }
0x3f: {  	_ =	shalt  }
0x40: {  	_ =	shalt  }
0x41: {  	_ =	shalt  }
0x42: {  	_ =	shalt  }
0x43: {  	_ =	shalt  }
0x44: {  	_ =	shalt  }
0x45: {  	_ =	shalt  }
0x46: {  	_ =	shalt  }
0x47: {  	_ =	shalt  }
0x48: {  	_ =	shalt  }
0x49: {  	_ =	shalt  }
0x4a: {  	_ =	shalt  }
0x4b: {  	_ =	shalt  }
0x4c: {  	_ =	shalt  }
0x4d: {  	_ =	shalt  }
0x4e: {  	_ =	shalt  }
0x4f: {  	_ =	shalt  }
0x50: {  	_ =	shalt  }
0x51: {  	_ =	shalt  }
0x52: {  	_ =	shalt  }
0x53: {  	_ =	shalt  }
0x54: {  	_ =	shalt  }
0x55: {  	_ =	shalt  }
0x56: {  	_ =	shalt  }
0x57: {  	_ =	shalt  }
0x58: {  	_ =	shalt  }
0x59: {  	_ =	shalt  }
0x5a: {  	_ =	shalt  }
0x5b: {  	_ =	shalt  }
0x5c: {  	_ =	shalt  }
0x5d: {  	_ =	shalt  }
0x5e: {  	_ =	shalt  }
0x5f: {  	_ =	shalt  }
0x60: {  	_ =	shalt  }
0x61: {  	_ =	shalt  }
0x62: {  	_ =	shalt  }
0x63: {  	_ =	shalt  }
0x64: {  	_ =	shalt  }
0x65: {  	_ =	shalt  }
0x66: {  	_ =	shalt  }
0x67: {  	_ =	shalt  }
0x68: {  	_ =	shalt  }
0x69: {  	_ =	shalt  }
0x6a: {  	_ =	shalt  }
0x6b: {  	_ =	shalt  }
0x6c: {  	_ =	shalt  }
0x6d: {  	_ =	shalt  }
0x6e: {  	_ =	shalt  }
0x6f: {  	_ =	shalt  }
0x70: {  	_ =	shalt  }
0x71: {  	_ =	shalt  }
0x72: {  	_ =	shalt  }
0x73: {  	_ =	shalt  }
0x74: {  	_ =	shalt  }
0x75: {  	_ =	shalt  }
0x76: {  	_ =	shalt  }
0x77: {  	_ =	shalt  }
0x78: {  	_ =	shalt  }
0x79: {  	_ =	shalt  }
0x7a: {  	_ =	shalt  }
0x7b: {  	_ =	shalt  }
0x7c: {  	_ =	shalt  }
0x7d: {  	_ =	shalt  }
0x7e: {  	_ =	shalt  }
0x7f: {  	_ =	shalt  }
0x80: {  	_ =	shalt  }
0x81: {  	_ =	shalt  }
0x82: {  	_ =	shalt  }
0x83: {  	_ =	shalt  }
0x84: {  	_ =	shalt  }
0x85: {  	_ =	shalt  }
0x86: {  	_ =	shalt  }
0x87: {  	_ =	shalt  }
.Lfunc_end0:
.L_simem_size_0:
called_computation.1_lowered:
.L_overlay_start_0:
0x88: {  	s2 =	sld [smem:$0x3FD9]  }
0x89: {  	s3 =	sld [smem:$0x3FFE];
	_ =	sdelay $0x1  }
0x8a: {  	s1 =	srdreg.scid  }
0x8b: {  	s0 =	sand.u32 $0x1, s1  }
0x8c: {  	s17 =	sshll.u32 s0, $0xA;
	s2 =	sadd.s32 s3, s2  }
0x8d: {  	s2 =	sadd.s32 s2, s17  }
0x8e: {  	[smem:$0x3FC0] =	sst s2  }
0x8f: {  	_ = 	snop  }
0x90: {  	(tm) =	ssettm $0x1  }
0x91: {  	s18 =	sld [smem:$0x3FFB];
	_ =	sdelay $0x3  }
0x92: {  	_ =	strace s18  }
0x93: {  	s2 =	sld [smem:$0x3FFC];
	_ =	sdelay $0x3  }
0x94: {  	_ =	strace s2  }
0x95: {  	s2 =	sld [smem:$0x3FFD];
	_ =	sdelay $0x3  }
0x96: {  	_ =	strace s2  }
0x97: {  	_ =	strace $0x8FFFFFFF  }
0x98: {  	s19 =	sld [smem:$0x3FDB];
	_ =	sdelay $0x1  }
0x99: {  	s20 =	simm.s32 $_scs_section_size  }
0x9a: {  	s4 =	simm.s32 $_size__tile_overlayer_lowered;
	s5 =	simm.s32 $_tile_overlayer_lowered  }
0x9b: {  	s6 =	simm.s32 $0x1BFF;
	s21 =	sshll.u32 s5, $0x1;
	s3 =	sadd.s32 s20, s19  }
0x9c: {  	s22 =	simm.s32 $0x0;
	s4 =	sshll.u32 s4, $0x1;
	s5 =	sadd.s32 s21, s3  }
0x9d: {  	[timem:s22], [sflag:s6] =	dma.local [hbm:s5], s4  }
0x9e: {  	_ =	swait.ge [sflag:s6], s4  }
0x9f: {  	s4 =	ssub.s32 $0x0, s4;
	[sflag:s6] =	ssyncset.done $0x0  }
0xa0: {  	[sflag:s6] =	ssyncadd.s32 s4;
	_ =	sdelay $0x1  }
0xa1: {  	s23 =	simm.s32 $0x1B8B  }
0xa2: {  	_ =	swait.ge [sflag:s23], $0x1  }
0xa3: {  	[sflag:s23] =	ssyncset.done $0x0  }
0xa4: {  	[sflag:s23] =	ssyncadd.s32 $0xFFFFFFFF  }
0xa5: {  	s4 =	sld [smem:$0x0]  }
0xa6: {  	s5 =	sand.u32 $0xFFFFFFFE, s1  }
0xa7: {  	p0 =	sne.s32 s1, s5  }
0xa8: {  	s5 =	sshll.u32 @p0 s5, $0xE  }
0xa9: {  	s5 =	sadd.s32 @p0 $0x11B8D, s5;
	s6 =	sshll.u32 @p0 s4, $0x11  }
0xaa: {  	s5 =	sor.u32 @p0 s6, s5  }
0xab: {  	[sflag:s5] =	ssyncadd.remote.s32 @p0 $0x1;
	_ =	sdelay $0x1  }
0xac: {  	s5 =	simm.s32 @p0 $0x1B8D  }
0xad: {  	_ =	swait.eq @p0 [sflag:s5], $0x1  }
0xae: {  	[sflag:s5] =	ssyncadd.s32 @p0 $0xFFFFFFFF  }
0xaf: {  	s6 =	sshll.u32 @!p0 s1, $0xE  }
0xb0: {  	s6 =	sor.u32 @!p0 $0x4000, s6;
	s5 =	simm.s32 @!p0 $0x1B8D  }
0xb1: {  	s4 =	sshll.u32 @!p0 s4, $0x11;
	s6 =	sadd.s32 @!p0 $0x11B8D, s6;
	_ =	swait.eq @!p0 [sflag:s5], $0x1  }
0xb2: {  	s4 =	sor.u32 @!p0 s4, s6;
	[sflag:s5] =	ssyncadd.s32 @!p0 $0xFFFFFFFF  }
0xb3: {  	s25 =	simm.s32 $0x1B8E;
	s24 =	sld [smem:$0x3FFE];
	[sflag:s4] =	ssyncadd.remote.s32 @!p0 $0x1  }
0xb4: {  	s26 =	simm.s32 $execute0_lowered;
	[smem:$0x3FD2] =	sst s25  }
0xb5: {  	s5 =	sshll.u32 s26, $0x1;
	_ =	strace $0x80000049;
	[dreg:$0x1] =	wrdreg $0xFFFFFFFF  }
0xb6: {  	s28 =	simm.s32 $_size_execute0_lowered;
	s3 =	sadd.s32 s3, s5;
	[dreg:$0x0] =	wrdreg $0x0  }
0xb7: {  	s5 =	sshll.u32 s28, $0x1;
	[dreg:$0x2] =	wrdreg s3  }
0xb8: {  	[dreg:$0x3] =	wrdreg s5  }
0xb9: {  	[dreg:$0x4] =	wrdreg $0xC0  }
0xba: {  	_ =	task [dreg:s22], $0x5FFFF  }
0xbb: {  	[dreg:$0x1] =	wrdreg $0xFFFFFFFF  }
0xbc: {  	[dreg:$0x0] =	wrdreg $0x60  }
0xbd: {  	[dreg:$0x2] =	wrdreg s24  }
0xbe: {  	[dreg:$0x3] =	wrdreg $0xA  }
0xbf: {  	_ =	task.clear_ibuf [dreg:s22], $0x4FFFF;
	_ =	strace $0x90000049  }
0xc0: {  	s29 =	simm.s32 $0xA;
	_ =	strace $0x8000004B  }
0xc1: {  	_ =	swait.ge [sflag:s29], $0x1  }
0xc2: {  	[sflag:s29] =	ssyncadd.s32 $0xFFFFFFFF  }
0xc3: {  	_ =	strace $0x9000004B  }
0xc4: {  	_ =	sfence  }
0xc5: {  	s30 =	sld [smem:$0x0];
	_ =	sdelay $0x2  }
0xc6: {  	s31 =	sshll.u32 s1, $0xD;
	s1 =	sshrl.u32 s1, $0x2  }
0xc7: {  	s4 =	sand.u32 $0x4000, s31;
	s1 =	sadd.s32 s1, s30  }
0xc8: {  	s0 =	sor.u32 s4, s0;
	s1 =	sshll.u32 s1, $0x11  }
0xc9: {  	s0 =	sor.u32 s1, s0  }
0xca: {  	s0 =	sadd.s32 $0x8F2B, s0  }
0xcb: {  	[sflag:s0] =	ssyncadd.remote.s32 $0x1  }
0xcc: {  	_ =	sfence.sel $0xFFFF  }
0xcd: {  	[dreg:$0x0] =	wrdreg $0xFFFFFFFF;
	(pc) =	sbr.abs _section_cstart, $3  }
0xce: {  	[dreg:$0x1] =	wrdreg $0xFFFFFFFF  }
0xcf: {  	_ =	task.clear_ibuf [dreg:s22], $0x2FFFF;
	_ =	strace $0x9FFFFFFF  }
0xd0: {  	(tm) =	ssettm $0x7FFFFFFF  }
0xd1: {  	_ =	shalt  }
tec
execute0_lowered:
.L_overlay_start_1:
0x0: {  	(tag) =	ssettag $0x1  }
0x1: {  	s0 =	srdreg.scid  }
0x2: {  	s1 =	stileid.u32;
	s3 =	rddreg [dreg:$0x0]  }
0x3: {  	s2 =	simm.s32 $0x0;
	s9 =	simm.s32 $0x280;
	s16 =	simm.s32 $0x5  }
0x4: {  	s17 =	simm.s32 $0x6;
	s0 =	sand.u32 $0x1, s0;
	s1 =	sshll.u32 s1, $0x1  }
0x5: {  	s28 =	simm.s32 $0x7A80;
	s12 =	simm.s32 $0x8280;
	s1 =	sor.u32 s0, s1  }
0x6: {  	s29 =	simm.s32 $0x8A80;
	s30 =	simm.s32 $0x9280;
	s4 =	smul.u32 $0x50, s1  }
0x7: {  	s31 =	simm.s32 $0x9A80;
	s10 =	simm.s32 $0xBA80;
	s5 =	smul.u32 $0x5000, s1  }
0x8: {  	[smem:$0x7FF] =	sst s2;
	s6 =	sadd.s32 $0x6600, s3;
	s1 =	smul.u32 $0x28000, s1  }
0x9: {  	_ =	strace $0x8000004A;
	s4 =	sadd.s32 s4, s3;
	s5 =	sadd.s32 s6, s5  }
0xa: {  	s1 =	sshrl.u32 s1, $0x3;
	s4 =	sadd.s32 $0x5C00, s4;
	[dreg:$0xc] =	wrdreg s5  }
0xb: {  	s18 =	sadd.s32 $0x800, s5;
	s1 =	sadd.s32 s6, s1;
	[dreg:$0x2] =	wrdreg s4  }
0xc: {  	s0 =	ssub.s32 $0x2, s0;
	[dreg:$0x3] =	wrdreg s18;
	s19 =	sadd.s32 $0x1000, s1  }
0xd: {  	s25 =	sshrl.u32 s0, $0x1;
	s20 =	sadd.s32 $0x1800, s1;
	[dreg:$0x4] =	wrdreg s19  }
0xe: {  	s0 =	ssub.s32 s0, s25;
	s21 =	sadd.s32 $0x2000, s1;
	[dreg:$0x5] =	wrdreg s20  }
0xf: {  	s25 =	simm.s32 $0x6A80;
	s22 =	sadd.s32 $0x2800, s1;
	[dreg:$0x6] =	wrdreg s21  }
0x10: {  	s5 =	smax.u32 s0, $0x1;
	s23 =	sadd.s32 $0x3000, s1;
	[dreg:$0x7] =	wrdreg s22  }
0x11: {  	s0 =	simm.s32 $0x2;
	s24 =	sadd.s32 $0x3800, s1;
	[dreg:$0x8] =	wrdreg s23  }
0x12: {  	s6 =	simm.s32 $0x3;
	s26 =	sadd.s32 $0x4000, s1;
	[dreg:$0x9] =	wrdreg s24  }
0x13: {  	s4 =	sadd.s32 $0x1C00, s3;
	s1 =	sadd.s32 $0x4800, s1;
	[dreg:$0xa] =	wrdreg s26  }
0x14: {  	v2 =	vlaneseq.u32;
	s3 =	simm.s32 $0x4;
	[dreg:$0xb] =	wrdreg s1;
	s23 =	simm.s32 $0x1  }
0x15: {  	vm0 =	vmmov $0xffff;
	v1 =	vshrl.u32 v2, $0x3;
	s24 =	simm.s32 $0x4280;
	s19 =	simm.s32 $0x4A80;
	s20 =	simm.s32 $0x5280  }
0x16: {  	v0 =	vand.u32 $0x7, v2;
	v2 =	vor.u32 $0x8, v2;
	v1 =	vmul.u32 $0x8, v1;
	s21 =	simm.s32 $0x5A80;
	s22 =	simm.s32 $0x6280;
	s26 =	simm.s32 $0x7280  }
.LBB2_1:
0x17: {  	s18 =	rddreg [dreg:$0x2];
	s1 =	simm.s32 $0x7  }
0x18: {  	[tilespmem:s2], [sflag:$0x7] =	stream.linear.gather [hbm4b:s18+s2], $0x280, $0x38;
	[tilespmem:$0xC280] =	vst v63  }
0x19: {  	_ =	swait.ge [sflag:s1], $0x280  }
0x1a: {  	[sflag:s1] =	ssyncset.done $0x0  }
0x1b: {  	[sflag:s1] =	ssyncadd.s32 $0xFFFFFD80  }
0x1c: {  	v3 =	vld [tilespmem:$0x0];
	_ =	sdelay $0x4  }
0x1d: {  	v4 =	vshll.u32 v3, $0x1  }
0x1e: {  	v3 =	vand.u32 $0x7, v3;
	v4 =	vand.u32 $0xFFFFFFF0, v4  }
0x1f: {  	v3 =	vor.u32 v3, v4  }
0x20: {  	v4 =	vperm.xlane v3, v0;
	_ =	sdelay $0x1  }
0x21: {  	v3 =	vperm.xlane v3, v2;
	v4 =	vadd.s32 v1, v4;
	_ =	sdelay $0x1  }
0x22: {  	v3 =	vadd.s32 v1, v3;
	_ =	sdelay $0x2  }
0x23: {  	[tilespmem:s9], [sflag:$0x1] =	stream.indirect_vreg.gather [hbm4b:s4+s2], $0x80, v4, vm0, $0xb8;
	[tilespmem:$0xC280] =	vst v63  }
0x24: {  	s1 =	simm.s32 $0xA80  }
0x25: {  	[tilespmem:s1], [sflag:$0x1] =	stream.indirect_vreg.gather [hbm4b:s4+s2], $0x80, v3, vm0, $0xb8;
	[tilespmem:$0xC280] =	vst v63  }
0x26: {  	v3 =	vld [tilespmem:$0x10];
	_ =	sdelay $0x4  }
0x27: {  	v25 =	vshll.u32 v3, $0x1  }
0x28: {  	v3 =	vand.u32 $0x7, v3;
	v4 =	vand.u32 $0xFFFFFFF0, v25  }
0x29: {  	v3 =	vor.u32 v3, v4  }
0x2a: {  	v4 =	vperm.xlane v3, v0;
	_ =	sdelay $0x1  }
0x2b: {  	v3 =	vperm.xlane v3, v2;
	v4 =	vadd.s32 v1, v4;
	_ =	sdelay $0x1  }
0x2c: {  	v3 =	vadd.s32 v1, v3;
	_ =	sdelay $0x1  }
0x2d: {  	s7 =	simm.s32 $0x1280  }
0x2e: {  	[tilespmem:s7], [sflag:$0x1] =	stream.indirect_vreg.gather [hbm4b:s4+s2], $0x80, v4, vm0, $0xb8;
	[tilespmem:$0xC280] =	vst v63  }
0x2f: {  	s8 =	simm.s32 $0x1A80  }
0x30: {  	[tilespmem:s8], [sflag:$0x1] =	stream.indirect_vreg.gather [hbm4b:s4+s2], $0x80, v3, vm0, $0xb8;
	[tilespmem:$0xC280] =	vst v63  }
0x31: {  	v3 =	vld [tilespmem:$0x20];
	_ =	sdelay $0x4  }
0x32: {  	v26 =	vshll.u32 v3, $0x1  }
0x33: {  	v3 =	vand.u32 $0x7, v3;
	v4 =	vand.u32 $0xFFFFFFF0, v26  }
0x34: {  	v3 =	vor.u32 v3, v4  }
0x35: {  	v4 =	vperm.xlane v3, v0;
	_ =	sdelay $0x1  }
0x36: {  	v3 =	vperm.xlane v3, v2;
	v4 =	vadd.s32 v1, v4;
	_ =	sdelay $0x1  }
0x37: {  	v3 =	vadd.s32 v1, v3;
	_ =	sdelay $0x1  }
0x38: {  	s13 =	simm.s32 $0x2280  }
0x39: {  	[tilespmem:s13], [sflag:$0x1] =	stream.indirect_vreg.gather [hbm4b:s4+s2], $0x80, v4, vm0, $0xb8;
	[tilespmem:$0xC280] =	vst v63  }
0x3a: {  	s14 =	simm.s32 $0x2A80  }
0x3b: {  	[tilespmem:s14], [sflag:$0x1] =	stream.indirect_vreg.gather [hbm4b:s4+s2], $0x80, v3, vm0, $0xb8;
	[tilespmem:$0xC280] =	vst v63  }
0x3c: {  	v3 =	vld [tilespmem:$0x30];
	_ =	sdelay $0x4  }
0x3d: {  	v27 =	vshll.u32 v3, $0x1  }
0x3e: {  	v3 =	vand.u32 $0x7, v3;
	v4 =	vand.u32 $0xFFFFFFF0, v27  }
0x3f: {  	v3 =	vor.u32 v3, v4  }
0x40: {  	v4 =	vperm.xlane v3, v0;
	_ =	sdelay $0x1  }
0x41: {  	v3 =	vperm.xlane v3, v2;
	v4 =	vadd.s32 v1, v4;
	_ =	sdelay $0x1  }
0x42: {  	v3 =	vadd.s32 v1, v3;
	_ =	sdelay $0x1  }
0x43: {  	s18 =	simm.s32 $0x3280  }
0x44: {  	[tilespmem:s18], [sflag:$0x1] =	stream.indirect_vreg.gather [hbm4b:s4+s2], $0x80, v4, vm0, $0xb8;
	[tilespmem:$0xC280] =	vst v63  }
0x45: {  	s7 =	simm.s32 $0x3A80  }
0x46: {  	[tilespmem:s7], [sflag:$0x1] =	stream.indirect_vreg.gather [hbm4b:s4+s2], $0x80, v3, vm0, $0xb8;
	[tilespmem:$0xC280] =	vst v63  }
0x47: {  	v3 =	vld [tilespmem:$0x40];
	_ =	sdelay $0x4  }
0x48: {  	v28 =	vshll.u32 v3, $0x1  }
0x49: {  	v3 =	vand.u32 $0x7, v3;
	v4 =	vand.u32 $0xFFFFFFF0, v28  }
0x4a: {  	v3 =	vor.u32 v3, v4  }
0x4b: {  	v4 =	vperm.xlane v3, v0;
	_ =	sdelay $0x1  }
0x4c: {  	v3 =	vperm.xlane v3, v2;
	v4 =	vadd.s32 v1, v4;
	_ =	sdelay $0x1  }
0x4d: {  	v3 =	vadd.s32 v1, v3;
	_ =	sdelay $0x2  }
0x4e: {  	[tilespmem:s24], [sflag:$0x2] =	stream.indirect_vreg.gather [hbm4b:s4+s2], $0x80, v4, vm0, $0xb8;
	[tilespmem:$0xC280] =	vst v63  }
0x4f: {  	_ = 	snop  }
0x50: {  	[tilespmem:s19], [sflag:$0x2] =	stream.indirect_vreg.gather [hbm4b:s4+s2], $0x80, v3, vm0, $0xb8;
	[tilespmem:$0xC280] =	vst v63  }
0x51: {  	v3 =	vld [tilespmem:$0x50];
	_ =	sdelay $0x4  }
0x52: {  	v29 =	vshll.u32 v3, $0x1  }
0x53: {  	v3 =	vand.u32 $0x7, v3;
	v4 =	vand.u32 $0xFFFFFFF0, v29  }
0x54: {  	v3 =	vor.u32 v3, v4  }
0x55: {  	v4 =	vperm.xlane v3, v0;
	_ =	sdelay $0x1  }
0x56: {  	v3 =	vperm.xlane v3, v2;
	v4 =	vadd.s32 v1, v4;
	_ =	sdelay $0x1  }
0x57: {  	v3 =	vadd.s32 v1, v3;
	_ =	sdelay $0x2  }
0x58: {  	[tilespmem:s20], [sflag:$0x2] =	stream.indirect_vreg.gather [hbm4b:s4+s2], $0x80, v4, vm0, $0xb8;
	[tilespmem:$0xC280] =	vst v63  }
0x59: {  	_ = 	snop  }
0x5a: {  	[tilespmem:s21], [sflag:$0x2] =	stream.indirect_vreg.gather [hbm4b:s4+s2], $0x80, v3, vm0, $0xb8;
	[tilespmem:$0xC280] =	vst v63  }
0x5b: {  	v3 =	vld [tilespmem:$0x60];
	_ =	sdelay $0x4  }
0x5c: {  	v30 =	vshll.u32 v3, $0x1  }
0x5d: {  	v3 =	vand.u32 $0x7, v3;
	v4 =	vand.u32 $0xFFFFFFF0, v30  }
0x5e: {  	v3 =	vor.u32 v3, v4  }
0x5f: {  	v4 =	vperm.xlane v3, v0;
	_ =	sdelay $0x1  }
0x60: {  	v3 =	vperm.xlane v3, v2;
	v4 =	vadd.s32 v1, v4;
	_ =	sdelay $0x1  }
0x61: {  	v3 =	vadd.s32 v1, v3;
	_ =	sdelay $0x2  }
0x62: {  	[tilespmem:s22], [sflag:$0x2] =	stream.indirect_vreg.gather [hbm4b:s4+s2], $0x80, v4, vm0, $0xb8;
	[tilespmem:$0xC280] =	vst v63  }
0x63: {  	_ = 	snop  }
0x64: {  	[tilespmem:s25], [sflag:$0x2] =	stream.indirect_vreg.gather [hbm4b:s4+s2], $0x80, v3, vm0, $0xb8;
	[tilespmem:$0xC280] =	vst v63  }
0x65: {  	v3 =	vld [tilespmem:$0x70];
	_ =	sdelay $0x4  }
0x66: {  	v31 =	vshll.u32 v3, $0x1  }
0x67: {  	v3 =	vand.u32 $0x7, v3;
	v4 =	vand.u32 $0xFFFFFFF0, v31  }
0x68: {  	v3 =	vor.u32 v3, v4  }
0x69: {  	v4 =	vperm.xlane v3, v0;
	_ =	sdelay $0x1  }
0x6a: {  	v3 =	vperm.xlane v3, v2;
	v4 =	vadd.s32 v1, v4;
	_ =	sdelay $0x1  }
0x6b: {  	v3 =	vadd.s32 v1, v3;
	_ =	sdelay $0x2  }
0x6c: {  	[tilespmem:s26], [sflag:$0x2] =	stream.indirect_vreg.gather [hbm4b:s4+s2], $0x80, v4, vm0, $0xb8;
	[tilespmem:$0xC280] =	vst v63  }
0x6d: {  	_ = 	snop  }
0x6e: {  	[tilespmem:s28], [sflag:$0x2] =	stream.indirect_vreg.gather [hbm4b:s4+s2], $0x80, v3, vm0, $0xb8;
	[tilespmem:$0xC280] =	vst v63  }
0x6f: {  	_ =	swait.ge [sflag:s23], $0x4000  }
0x70: {  	[sflag:s23] =	ssyncset.done $0x0  }
0x71: {  	s8 =	rddreg [dreg:$0xc];
	[sflag:s23] =	ssyncadd.s32 $0xFFFFC000  }
0x72: {  	[hbm4b:s8+s2] =	stream.linear.scatter [tilespmem:s9], [sflag:$0x4], $0x4000, $0x38;
	[tilespmem:$0xC280] =	vst v63  }
0x73: {  	v3 =	vld [tilespmem:$0x80];
	_ =	sdelay $0x4  }
0x74: {  	v32 =	vshll.u32 v3, $0x1  }
0x75: {  	v3 =	vand.u32 $0x7, v3;
	v4 =	vand.u32 $0xFFFFFFF0, v32  }
0x76: {  	v3 =	vor.u32 v3, v4  }
0x77: {  	v4 =	vperm.xlane v3, v0;
	_ =	sdelay $0x1  }
0x78: {  	v3 =	vperm.xlane v3, v2;
	v4 =	vadd.s32 v1, v4;
	_ =	sdelay $0x1  }
0x79: {  	v3 =	vadd.s32 v1, v3;
	_ =	sdelay $0x2  }
0x7a: {  	[tilespmem:s12], [sflag:$0x3] =	stream.indirect_vreg.gather [hbm4b:s4+s2], $0x80, v4, vm0, $0xb8;
	[tilespmem:$0xC280] =	vst v63  }
0x7b: {  	_ = 	snop  }
0x7c: {  	[tilespmem:s29], [sflag:$0x3] =	stream.indirect_vreg.gather [hbm4b:s4+s2], $0x80, v3, vm0, $0xb8;
	[tilespmem:$0xC280] =	vst v63  }
0x7d: {  	v3 =	vld [tilespmem:$0x90];
	_ =	sdelay $0x4  }
0x7e: {  	v33 =	vshll.u32 v3, $0x1  }
0x7f: {  	v3 =	vand.u32 $0x7, v3;
	v4 =	vand.u32 $0xFFFFFFF0, v33  }
0x80: {  	v3 =	vor.u32 v3, v4  }
0x81: {  	v4 =	vperm.xlane v3, v0;
	_ =	sdelay $0x1  }
0x82: {  	v3 =	vperm.xlane v3, v2;
	v4 =	vadd.s32 v1, v4;
	_ =	sdelay $0x1  }
0x83: {  	v3 =	vadd.s32 v1, v3;
	_ =	sdelay $0x2  }
0x84: {  	[tilespmem:s30], [sflag:$0x3] =	stream.indirect_vreg.gather [hbm4b:s4+s2], $0x80, v4, vm0, $0xb8;
	[tilespmem:$0xC280] =	vst v63  }
0x85: {  	_ = 	snop  }
0x86: {  	[tilespmem:s31], [sflag:$0x3] =	stream.indirect_vreg.gather [hbm4b:s4+s2], $0x80, v3, vm0, $0xb8;
	[tilespmem:$0xC280] =	vst v63  }
0x87: {  	v3 =	vld [tilespmem:$0xA0];
	_ =	sdelay $0x4  }
0x88: {  	v34 =	vshll.u32 v3, $0x1  }
0x89: {  	v3 =	vand.u32 $0x7, v3;
	v4 =	vand.u32 $0xFFFFFFF0, v34  }
0x8a: {  	v3 =	vor.u32 v3, v4  }
0x8b: {  	v4 =	vperm.xlane v3, v0;
	_ =	sdelay $0x1  }
0x8c: {  	v3 =	vperm.xlane v3, v2;
	v4 =	vadd.s32 v1, v4;
	_ =	sdelay $0x1  }
0x8d: {  	v3 =	vadd.s32 v1, v3;
	_ =	sdelay $0x1  }
0x8e: {  	s8 =	simm.s32 $0xA280  }
0x8f: {  	[tilespmem:s8], [sflag:$0x3] =	stream.indirect_vreg.gather [hbm4b:s4+s2], $0x80, v4, vm0, $0xb8;
	[tilespmem:$0xC280] =	vst v63  }
0x90: {  	s8 =	simm.s32 $0xAA80  }
0x91: {  	[tilespmem:s8], [sflag:$0x3] =	stream.indirect_vreg.gather [hbm4b:s4+s2], $0x80, v3, vm0, $0xb8;
	[tilespmem:$0xC280] =	vst v63  }
0x92: {  	v3 =	vld [tilespmem:$0xB0];
	_ =	sdelay $0x4  }
0x93: {  	v35 =	vshll.u32 v3, $0x1  }
0x94: {  	v3 =	vand.u32 $0x7, v3;
	v4 =	vand.u32 $0xFFFFFFF0, v35  }
0x95: {  	v3 =	vor.u32 v3, v4  }
0x96: {  	v4 =	vperm.xlane v3, v0;
	_ =	sdelay $0x1  }
0x97: {  	v3 =	vperm.xlane v3, v2;
	v4 =	vadd.s32 v1, v4;
	_ =	sdelay $0x1  }
0x98: {  	v3 =	vadd.s32 v1, v3;
	_ =	sdelay $0x1  }
0x99: {  	s7 =	simm.s32 $0xB280  }
0x9a: {  	[tilespmem:s7], [sflag:$0x3] =	stream.indirect_vreg.gather [hbm4b:s4+s2], $0x80, v4, vm0, $0xb8;
	[tilespmem:$0xC280] =	vst v63  }
0x9b: {  	_ = 	snop  }
0x9c: {  	[tilespmem:s10], [sflag:$0x3] =	stream.indirect_vreg.gather [hbm4b:s4+s2], $0x80, v3, vm0, $0xb8;
	[tilespmem:$0xC280] =	vst v63  }
0x9d: {  	_ =	swait.ge [sflag:s0], $0x4000  }
0x9e: {  	[sflag:s0] =	ssyncset.done $0x0  }
0x9f: {  	s13 =	rddreg [dreg:$0x3];
	[sflag:s0] =	ssyncadd.s32 $0xFFFFC000  }
0xa0: {  	[hbm4b:s13+s2] =	stream.linear.scatter [tilespmem:s24], [sflag:$0x5], $0x4000, $0x38;
	[tilespmem:$0xC280] =	vst v63  }
0xa1: {  	_ =	swait.ge [sflag:s3], $0x4000  }
0xa2: {  	[sflag:s3] =	ssyncset.done $0x0  }
0xa3: {  	[sflag:s3] =	ssyncadd.s32 $0xFFFFC000  }
0xa4: {  	v3 =	vld [tilespmem:$0xC0];
	_ =	sdelay $0x4  }
0xa5: {  	v36 =	vshll.u32 v3, $0x1  }
0xa6: {  	v3 =	vand.u32 $0x7, v3;
	v4 =	vand.u32 $0xFFFFFFF0, v36  }
0xa7: {  	v3 =	vor.u32 v3, v4  }
0xa8: {  	v4 =	vperm.xlane v3, v0;
	_ =	sdelay $0x1  }
0xa9: {  	v3 =	vperm.xlane v3, v2;
	v4 =	vadd.s32 v1, v4;
	_ =	sdelay $0x1  }
0xaa: {  	v3 =	vadd.s32 v1, v3;
	_ =	sdelay $0x2  }
0xab: {  	[tilespmem:s9], [sflag:$0x1] =	stream.indirect_vreg.gather [hbm4b:s4+s2], $0x80, v4, vm0, $0xb8;
	[tilespmem:$0xC280] =	vst v63  }
0xac: {  	s11 =	simm.s32 $0xA80  }
0xad: {  	[tilespmem:s11], [sflag:$0x1] =	stream.indirect_vreg.gather [hbm4b:s4+s2], $0x80, v3, vm0, $0xb8;
	[tilespmem:$0xC280] =	vst v63  }
0xae: {  	v3 =	vld [tilespmem:$0xD0];
	_ =	sdelay $0x4  }
0xaf: {  	v37 =	vshll.u32 v3, $0x1  }
0xb0: {  	v3 =	vand.u32 $0x7, v3;
	v4 =	vand.u32 $0xFFFFFFF0, v37  }
0xb1: {  	v3 =	vor.u32 v3, v4  }
0xb2: {  	v4 =	vperm.xlane v3, v0;
	_ =	sdelay $0x1  }
0xb3: {  	v3 =	vperm.xlane v3, v2;
	v4 =	vadd.s32 v1, v4;
	_ =	sdelay $0x1  }
0xb4: {  	v3 =	vadd.s32 v1, v3;
	_ =	sdelay $0x1  }
0xb5: {  	s11 =	simm.s32 $0x1280  }
0xb6: {  	[tilespmem:s11], [sflag:$0x1] =	stream.indirect_vreg.gather [hbm4b:s4+s2], $0x80, v4, vm0, $0xb8;
	[tilespmem:$0xC280] =	vst v63  }
0xb7: {  	s13 =	simm.s32 $0x1A80  }
0xb8: {  	[tilespmem:s13], [sflag:$0x1] =	stream.indirect_vreg.gather [hbm4b:s4+s2], $0x80, v3, vm0, $0xb8;
	[tilespmem:$0xC280] =	vst v63  }
0xb9: {  	v3 =	vld [tilespmem:$0xE0];
	_ =	sdelay $0x4  }
0xba: {  	v38 =	vshll.u32 v3, $0x1  }
0xbb: {  	v3 =	vand.u32 $0x7, v3;
	v4 =	vand.u32 $0xFFFFFFF0, v38  }
0xbc: {  	v3 =	vor.u32 v3, v4  }
0xbd: {  	v4 =	vperm.xlane v3, v0;
	_ =	sdelay $0x1  }
0xbe: {  	v3 =	vperm.xlane v3, v2;
	v4 =	vadd.s32 v1, v4;
	_ =	sdelay $0x1  }
0xbf: {  	v3 =	vadd.s32 v1, v3;
	_ =	sdelay $0x1  }
0xc0: {  	s15 =	simm.s32 $0x2280  }
0xc1: {  	[tilespmem:s15], [sflag:$0x1] =	stream.indirect_vreg.gather [hbm4b:s4+s2], $0x80, v4, vm0, $0xb8;
	[tilespmem:$0xC280] =	vst v63  }
0xc2: {  	s15 =	simm.s32 $0x2A80  }
0xc3: {  	[tilespmem:s15], [sflag:$0x1] =	stream.indirect_vreg.gather [hbm4b:s4+s2], $0x80, v3, vm0, $0xb8;
	[tilespmem:$0xC280] =	vst v63  }
0xc4: {  	v3 =	vld [tilespmem:$0xF0];
	_ =	sdelay $0x4  }
0xc5: {  	v39 =	vshll.u32 v3, $0x1  }
0xc6: {  	v3 =	vand.u32 $0x7, v3;
	v4 =	vand.u32 $0xFFFFFFF0, v39  }
0xc7: {  	v3 =	vor.u32 v3, v4  }
0xc8: {  	v4 =	vperm.xlane v3, v0;
	_ =	sdelay $0x1  }
0xc9: {  	v3 =	vperm.xlane v3, v2;
	v4 =	vadd.s32 v1, v4;
	_ =	sdelay $0x1  }
0xca: {  	v3 =	vadd.s32 v1, v3;
	_ =	sdelay $0x1  }
0xcb: {  	s14 =	simm.s32 $0x3280  }
0xcc: {  	[tilespmem:s14], [sflag:$0x1] =	stream.indirect_vreg.gather [hbm4b:s4+s2], $0x80, v4, vm0, $0xb8;
	[tilespmem:$0xC280] =	vst v63  }
0xcd: {  	s1 =	simm.s32 $0x3A80  }
0xce: {  	[tilespmem:s1], [sflag:$0x1] =	stream.indirect_vreg.gather [hbm4b:s4+s2], $0x80, v3, vm0, $0xb8;
	[tilespmem:$0xC280] =	vst v63  }
0xcf: {  	_ =	swait.ge [sflag:s6], $0x4000  }
0xd0: {  	[sflag:s6] =	ssyncset.done $0x0  }
0xd1: {  	s1 =	rddreg [dreg:$0x4];
	[sflag:s6] =	ssyncadd.s32 $0xFFFFC000  }
0xd2: {  	[hbm4b:s1+s2] =	stream.linear.scatter [tilespmem:s12], [sflag:$0x6], $0x4000, $0x38;
	[tilespmem:$0xC280] =	vst v63  }
0xd3: {  	_ =	swait.ge [sflag:s16], $0x4000  }
0xd4: {  	[sflag:s16] =	ssyncset.done $0x0  }
0xd5: {  	[sflag:s16] =	ssyncadd.s32 $0xFFFFC000  }
0xd6: {  	v3 =	vld [tilespmem:$0x100];
	_ =	sdelay $0x4  }
0xd7: {  	v40 =	vshll.u32 v3, $0x1  }
0xd8: {  	v3 =	vand.u32 $0x7, v3;
	v4 =	vand.u32 $0xFFFFFFF0, v40  }
0xd9: {  	v3 =	vor.u32 v3, v4  }
0xda: {  	v4 =	vperm.xlane v3, v0;
	_ =	sdelay $0x1  }
0xdb: {  	v3 =	vperm.xlane v3, v2;
	v4 =	vadd.s32 v1, v4;
	_ =	sdelay $0x1  }
0xdc: {  	v3 =	vadd.s32 v1, v3;
	_ =	sdelay $0x2  }
0xdd: {  	[tilespmem:s24], [sflag:$0x2] =	stream.indirect_vreg.gather [hbm4b:s4+s2], $0x80, v4, vm0, $0xb8;
	[tilespmem:$0xC280] =	vst v63  }
0xde: {  	_ = 	snop  }
0xdf: {  	[tilespmem:s19], [sflag:$0x2] =	stream.indirect_vreg.gather [hbm4b:s4+s2], $0x80, v3, vm0, $0xb8;
	[tilespmem:$0xC280] =	vst v63  }
0xe0: {  	v3 =	vld [tilespmem:$0x110];
	_ =	sdelay $0x4  }
0xe1: {  	v41 =	vshll.u32 v3, $0x1  }
0xe2: {  	v3 =	vand.u32 $0x7, v3;
	v4 =	vand.u32 $0xFFFFFFF0, v41  }
0xe3: {  	v3 =	vor.u32 v3, v4  }
0xe4: {  	v4 =	vperm.xlane v3, v0;
	_ =	sdelay $0x1  }
0xe5: {  	v3 =	vperm.xlane v3, v2;
	v4 =	vadd.s32 v1, v4;
	_ =	sdelay $0x1  }
0xe6: {  	v3 =	vadd.s32 v1, v3;
	_ =	sdelay $0x2  }
0xe7: {  	[tilespmem:s20], [sflag:$0x2] =	stream.indirect_vreg.gather [hbm4b:s4+s2], $0x80, v4, vm0, $0xb8;
	[tilespmem:$0xC280] =	vst v63  }
0xe8: {  	_ = 	snop  }
0xe9: {  	[tilespmem:s21], [sflag:$0x2] =	stream.indirect_vreg.gather [hbm4b:s4+s2], $0x80, v3, vm0, $0xb8;
	[tilespmem:$0xC280] =	vst v63  }
0xea: {  	v3 =	vld [tilespmem:$0x120];
	_ =	sdelay $0x4  }
0xeb: {  	v42 =	vshll.u32 v3, $0x1  }
0xec: {  	v3 =	vand.u32 $0x7, v3;
	v4 =	vand.u32 $0xFFFFFFF0, v42  }
0xed: {  	v3 =	vor.u32 v3, v4  }
0xee: {  	v4 =	vperm.xlane v3, v0;
	_ =	sdelay $0x1  }
0xef: {  	v3 =	vperm.xlane v3, v2;
	v4 =	vadd.s32 v1, v4;
	_ =	sdelay $0x1  }
0xf0: {  	v3 =	vadd.s32 v1, v3;
	_ =	sdelay $0x2  }
0xf1: {  	[tilespmem:s22], [sflag:$0x2] =	stream.indirect_vreg.gather [hbm4b:s4+s2], $0x80, v4, vm0, $0xb8;
	[tilespmem:$0xC280] =	vst v63  }
0xf2: {  	_ = 	snop  }
0xf3: {  	[tilespmem:s25], [sflag:$0x2] =	stream.indirect_vreg.gather [hbm4b:s4+s2], $0x80, v3, vm0, $0xb8;
	[tilespmem:$0xC280] =	vst v63  }
0xf4: {  	v3 =	vld [tilespmem:$0x130];
	_ =	sdelay $0x4  }
0xf5: {  	v43 =	vshll.u32 v3, $0x1  }
0xf6: {  	v3 =	vand.u32 $0x7, v3;
	v4 =	vand.u32 $0xFFFFFFF0, v43  }
0xf7: {  	v3 =	vor.u32 v3, v4  }
0xf8: {  	v4 =	vperm.xlane v3, v0;
	_ =	sdelay $0x1  }
0xf9: {  	v3 =	vperm.xlane v3, v2;
	v4 =	vadd.s32 v1, v4;
	_ =	sdelay $0x1  }
0xfa: {  	v3 =	vadd.s32 v1, v3;
	_ =	sdelay $0x2  }
0xfb: {  	[tilespmem:s26], [sflag:$0x2] =	stream.indirect_vreg.gather [hbm4b:s4+s2], $0x80, v4, vm0, $0xb8;
	[tilespmem:$0xC280] =	vst v63  }
0xfc: {  	_ = 	snop  }
0xfd: {  	[tilespmem:s28], [sflag:$0x2] =	stream.indirect_vreg.gather [hbm4b:s4+s2], $0x80, v3, vm0, $0xb8;
	[tilespmem:$0xC280] =	vst v63  }
0xfe: {  	_ =	swait.ge [sflag:s23], $0x4000  }
0xff: {  	[sflag:s23] =	ssyncset.done $0x0  }
0x100: {  	s14 =	rddreg [dreg:$0x5];
	[sflag:s23] =	ssyncadd.s32 $0xFFFFC000  }
0x101: {  	[hbm4b:s14+s2] =	stream.linear.scatter [tilespmem:s9], [sflag:$0x4], $0x4000, $0x38;
	[tilespmem:$0xC280] =	vst v63  }
0x102: {  	_ =	swait.ge [sflag:s17], $0x4000  }
0x103: {  	[sflag:s17] =	ssyncset.done $0x0  }
0x104: {  	[sflag:s17] =	ssyncadd.s32 $0xFFFFC000  }
0x105: {  	v3 =	vld [tilespmem:$0x140];
	_ =	sdelay $0x4  }
0x106: {  	v44 =	vshll.u32 v3, $0x1  }
0x107: {  	v3 =	vand.u32 $0x7, v3;
	v4 =	vand.u32 $0xFFFFFFF0, v44  }
0x108: {  	v3 =	vor.u32 v3, v4  }
0x109: {  	v4 =	vperm.xlane v3, v0;
	_ =	sdelay $0x1  }
0x10a: {  	v3 =	vperm.xlane v3, v2;
	v4 =	vadd.s32 v1, v4;
	_ =	sdelay $0x1  }
0x10b: {  	v3 =	vadd.s32 v1, v3;
	_ =	sdelay $0x2  }
0x10c: {  	[tilespmem:s12], [sflag:$0x3] =	stream.indirect_vreg.gather [hbm4b:s4+s2], $0x80, v4, vm0, $0xb8;
	[tilespmem:$0xC280] =	vst v63  }
0x10d: {  	_ = 	snop  }
0x10e: {  	[tilespmem:s29], [sflag:$0x3] =	stream.indirect_vreg.gather [hbm4b:s4+s2], $0x80, v3, vm0, $0xb8;
	[tilespmem:$0xC280] =	vst v63  }
0x10f: {  	v3 =	vld [tilespmem:$0x150];
	_ =	sdelay $0x4  }
0x110: {  	v45 =	vshll.u32 v3, $0x1  }
0x111: {  	v3 =	vand.u32 $0x7, v3;
	v4 =	vand.u32 $0xFFFFFFF0, v45  }
0x112: {  	v3 =	vor.u32 v3, v4  }
0x113: {  	v4 =	vperm.xlane v3, v0;
	_ =	sdelay $0x1  }
0x114: {  	v3 =	vperm.xlane v3, v2;
	v4 =	vadd.s32 v1, v4;
	_ =	sdelay $0x1  }
0x115: {  	v3 =	vadd.s32 v1, v3;
	_ =	sdelay $0x2  }
0x116: {  	[tilespmem:s30], [sflag:$0x3] =	stream.indirect_vreg.gather [hbm4b:s4+s2], $0x80, v4, vm0, $0xb8;
	[tilespmem:$0xC280] =	vst v63  }
0x117: {  	_ = 	snop  }
0x118: {  	[tilespmem:s31], [sflag:$0x3] =	stream.indirect_vreg.gather [hbm4b:s4+s2], $0x80, v3, vm0, $0xb8;
	[tilespmem:$0xC280] =	vst v63  }
0x119: {  	v3 =	vld [tilespmem:$0x160];
	_ =	sdelay $0x4  }
0x11a: {  	v46 =	vshll.u32 v3, $0x1  }
0x11b: {  	v3 =	vand.u32 $0x7, v3;
	v4 =	vand.u32 $0xFFFFFFF0, v46  }
0x11c: {  	v3 =	vor.u32 v3, v4  }
0x11d: {  	v4 =	vperm.xlane v3, v0;
	_ =	sdelay $0x1  }
0x11e: {  	v3 =	vperm.xlane v3, v2;
	v4 =	vadd.s32 v1, v4;
	_ =	sdelay $0x1  }
0x11f: {  	v3 =	vadd.s32 v1, v3;
	_ =	sdelay $0x1  }
0x120: {  	s18 =	simm.s32 $0xA280  }
0x121: {  	[tilespmem:s18], [sflag:$0x3] =	stream.indirect_vreg.gather [hbm4b:s4+s2], $0x80, v4, vm0, $0xb8;
	[tilespmem:$0xC280] =	vst v63  }
0x122: {  	_ = 	snop  }
0x123: {  	[tilespmem:s8], [sflag:$0x3] =	stream.indirect_vreg.gather [hbm4b:s4+s2], $0x80, v3, vm0, $0xb8;
	[tilespmem:$0xC280] =	vst v63  }
0x124: {  	v3 =	vld [tilespmem:$0x170];
	_ =	sdelay $0x4  }
0x125: {  	v47 =	vshll.u32 v3, $0x1  }
0x126: {  	v3 =	vand.u32 $0x7, v3;
	v4 =	vand.u32 $0xFFFFFFF0, v47  }
0x127: {  	v3 =	vor.u32 v3, v4  }
0x128: {  	v4 =	vperm.xlane v3, v0;
	_ =	sdelay $0x1  }
0x129: {  	v3 =	vperm.xlane v3, v2;
	v4 =	vadd.s32 v1, v4;
	_ =	sdelay $0x1  }
0x12a: {  	v3 =	vadd.s32 v1, v3;
	_ =	sdelay $0x1  }
0x12b: {  	s7 =	simm.s32 $0xB280  }
0x12c: {  	[tilespmem:s7], [sflag:$0x3] =	stream.indirect_vreg.gather [hbm4b:s4+s2], $0x80, v4, vm0, $0xb8;
	[tilespmem:$0xC280] =	vst v63  }
0x12d: {  	_ = 	snop  }
0x12e: {  	[tilespmem:s10], [sflag:$0x3] =	stream.indirect_vreg.gather [hbm4b:s4+s2], $0x80, v3, vm0, $0xb8;
	[tilespmem:$0xC280] =	vst v63  }
0x12f: {  	_ =	swait.ge [sflag:s0], $0x4000  }
0x130: {  	[sflag:s0] =	ssyncset.done $0x0  }
0x131: {  	s14 =	rddreg [dreg:$0x6];
	[sflag:s0] =	ssyncadd.s32 $0xFFFFC000  }
0x132: {  	[hbm4b:s14+s2] =	stream.linear.scatter [tilespmem:s24], [sflag:$0x5], $0x4000, $0x38;
	[tilespmem:$0xC280] =	vst v63  }
0x133: {  	_ =	swait.ge [sflag:s3], $0x4000  }
0x134: {  	[sflag:s3] =	ssyncset.done $0x0  }
0x135: {  	[sflag:s3] =	ssyncadd.s32 $0xFFFFC000  }
0x136: {  	v3 =	vld [tilespmem:$0x180];
	_ =	sdelay $0x4  }
0x137: {  	v48 =	vshll.u32 v3, $0x1  }
0x138: {  	v3 =	vand.u32 $0x7, v3;
	v4 =	vand.u32 $0xFFFFFFF0, v48  }
0x139: {  	v3 =	vor.u32 v3, v4  }
0x13a: {  	v4 =	vperm.xlane v3, v0;
	_ =	sdelay $0x1  }
0x13b: {  	v3 =	vperm.xlane v3, v2;
	v4 =	vadd.s32 v1, v4;
	_ =	sdelay $0x1  }
0x13c: {  	v3 =	vadd.s32 v1, v3;
	_ =	sdelay $0x2  }
0x13d: {  	[tilespmem:s9], [sflag:$0x1] =	stream.indirect_vreg.gather [hbm4b:s4+s2], $0x80, v4, vm0, $0xb8;
	[tilespmem:$0xC280] =	vst v63  }
0x13e: {  	s7 =	simm.s32 $0xA80  }
0x13f: {  	[tilespmem:s7], [sflag:$0x1] =	stream.indirect_vreg.gather [hbm4b:s4+s2], $0x80, v3, vm0, $0xb8;
	[tilespmem:$0xC280] =	vst v63  }
0x140: {  	v3 =	vld [tilespmem:$0x190];
	_ =	sdelay $0x4  }
0x141: {  	v49 =	vshll.u32 v3, $0x1  }
0x142: {  	v3 =	vand.u32 $0x7, v3;
	v4 =	vand.u32 $0xFFFFFFF0, v49  }
0x143: {  	v3 =	vor.u32 v3, v4  }
0x144: {  	v4 =	vperm.xlane v3, v0;
	_ =	sdelay $0x1  }
0x145: {  	v3 =	vperm.xlane v3, v2;
	v4 =	vadd.s32 v1, v4;
	_ =	sdelay $0x1  }
0x146: {  	v3 =	vadd.s32 v1, v3;
	_ =	sdelay $0x2  }
0x147: {  	[tilespmem:s11], [sflag:$0x1] =	stream.indirect_vreg.gather [hbm4b:s4+s2], $0x80, v4, vm0, $0xb8;
	[tilespmem:$0xC280] =	vst v63  }
0x148: {  	_ = 	snop  }
0x149: {  	[tilespmem:s13], [sflag:$0x1] =	stream.indirect_vreg.gather [hbm4b:s4+s2], $0x80, v3, vm0, $0xb8;
	[tilespmem:$0xC280] =	vst v63  }
0x14a: {  	v3 =	vld [tilespmem:$0x1A0];
	_ =	sdelay $0x4  }
0x14b: {  	v50 =	vshll.u32 v3, $0x1  }
0x14c: {  	v3 =	vand.u32 $0x7, v3;
	v4 =	vand.u32 $0xFFFFFFF0, v50  }
0x14d: {  	v3 =	vor.u32 v3, v4  }
0x14e: {  	v4 =	vperm.xlane v3, v0;
	_ =	sdelay $0x1  }
0x14f: {  	v3 =	vperm.xlane v3, v2;
	v4 =	vadd.s32 v1, v4;
	_ =	sdelay $0x1  }
0x150: {  	v3 =	vadd.s32 v1, v3;
	_ =	sdelay $0x1  }
0x151: {  	s13 =	simm.s32 $0x2280  }
0x152: {  	[tilespmem:s13], [sflag:$0x1] =	stream.indirect_vreg.gather [hbm4b:s4+s2], $0x80, v4, vm0, $0xb8;
	[tilespmem:$0xC280] =	vst v63  }
0x153: {  	_ = 	snop  }
0x154: {  	[tilespmem:s15], [sflag:$0x1] =	stream.indirect_vreg.gather [hbm4b:s4+s2], $0x80, v3, vm0, $0xb8;
	[tilespmem:$0xC280] =	vst v63  }
0x155: {  	v3 =	vld [tilespmem:$0x1B0];
	_ =	sdelay $0x4  }
0x156: {  	v51 =	vshll.u32 v3, $0x1  }
0x157: {  	v3 =	vand.u32 $0x7, v3;
	v4 =	vand.u32 $0xFFFFFFF0, v51  }
0x158: {  	v3 =	vor.u32 v3, v4  }
0x159: {  	v4 =	vperm.xlane v3, v0;
	_ =	sdelay $0x1  }
0x15a: {  	v3 =	vperm.xlane v3, v2;
	v4 =	vadd.s32 v1, v4;
	_ =	sdelay $0x1  }
0x15b: {  	v3 =	vadd.s32 v1, v3;
	_ =	sdelay $0x1  }
0x15c: {  	s18 =	simm.s32 $0x3280  }
0x15d: {  	[tilespmem:s18], [sflag:$0x1] =	stream.indirect_vreg.gather [hbm4b:s4+s2], $0x80, v4, vm0, $0xb8;
	[tilespmem:$0xC280] =	vst v63  }
0x15e: {  	s18 =	simm.s32 $0x3A80  }
0x15f: {  	[tilespmem:s18], [sflag:$0x1] =	stream.indirect_vreg.gather [hbm4b:s4+s2], $0x80, v3, vm0, $0xb8;
	[tilespmem:$0xC280] =	vst v63  }
0x160: {  	_ =	swait.ge [sflag:s6], $0x4000  }
0x161: {  	[sflag:s6] =	ssyncset.done $0x0  }
0x162: {  	s18 =	rddreg [dreg:$0x7];
	[sflag:s6] =	ssyncadd.s32 $0xFFFFC000  }
0x163: {  	[hbm4b:s18+s2] =	stream.linear.scatter [tilespmem:s12], [sflag:$0x6], $0x4000, $0x38;
	[tilespmem:$0xC280] =	vst v63  }
0x164: {  	_ =	swait.ge [sflag:s16], $0x4000  }
0x165: {  	[sflag:s16] =	ssyncset.done $0x0  }
0x166: {  	[sflag:s16] =	ssyncadd.s32 $0xFFFFC000  }
0x167: {  	v3 =	vld [tilespmem:$0x1C0];
	_ =	sdelay $0x4  }
0x168: {  	v52 =	vshll.u32 v3, $0x1  }
0x169: {  	v3 =	vand.u32 $0x7, v3;
	v4 =	vand.u32 $0xFFFFFFF0, v52  }
0x16a: {  	v3 =	vor.u32 v3, v4  }
0x16b: {  	v4 =	vperm.xlane v3, v0;
	_ =	sdelay $0x1  }
0x16c: {  	v3 =	vperm.xlane v3, v2;
	v4 =	vadd.s32 v1, v4;
	_ =	sdelay $0x1  }
0x16d: {  	v3 =	vadd.s32 v1, v3;
	_ =	sdelay $0x2  }
0x16e: {  	[tilespmem:s24], [sflag:$0x2] =	stream.indirect_vreg.gather [hbm4b:s4+s2], $0x80, v4, vm0, $0xb8;
	[tilespmem:$0xC280] =	vst v63  }
0x16f: {  	_ = 	snop  }
0x170: {  	[tilespmem:s19], [sflag:$0x2] =	stream.indirect_vreg.gather [hbm4b:s4+s2], $0x80, v3, vm0, $0xb8;
	[tilespmem:$0xC280] =	vst v63  }
0x171: {  	v3 =	vld [tilespmem:$0x1D0];
	_ =	sdelay $0x4  }
0x172: {  	v53 =	vshll.u32 v3, $0x1  }
0x173: {  	v3 =	vand.u32 $0x7, v3;
	v4 =	vand.u32 $0xFFFFFFF0, v53  }
0x174: {  	v3 =	vor.u32 v3, v4  }
0x175: {  	v4 =	vperm.xlane v3, v0;
	_ =	sdelay $0x1  }
0x176: {  	v3 =	vperm.xlane v3, v2;
	v4 =	vadd.s32 v1, v4;
	_ =	sdelay $0x1  }
0x177: {  	v3 =	vadd.s32 v1, v3;
	_ =	sdelay $0x2  }
0x178: {  	[tilespmem:s20], [sflag:$0x2] =	stream.indirect_vreg.gather [hbm4b:s4+s2], $0x80, v4, vm0, $0xb8;
	[tilespmem:$0xC280] =	vst v63  }
0x179: {  	_ = 	snop  }
0x17a: {  	[tilespmem:s21], [sflag:$0x2] =	stream.indirect_vreg.gather [hbm4b:s4+s2], $0x80, v3, vm0, $0xb8;
	[tilespmem:$0xC280] =	vst v63  }
0x17b: {  	v3 =	vld [tilespmem:$0x1E0];
	_ =	sdelay $0x4  }
0x17c: {  	v54 =	vshll.u32 v3, $0x1  }
0x17d: {  	v3 =	vand.u32 $0x7, v3;
	v4 =	vand.u32 $0xFFFFFFF0, v54  }
0x17e: {  	v3 =	vor.u32 v3, v4  }
0x17f: {  	v4 =	vperm.xlane v3, v0;
	_ =	sdelay $0x1  }
0x180: {  	v3 =	vperm.xlane v3, v2;
	v4 =	vadd.s32 v1, v4;
	_ =	sdelay $0x1  }
0x181: {  	v3 =	vadd.s32 v1, v3;
	_ =	sdelay $0x2  }
0x182: {  	[tilespmem:s22], [sflag:$0x2] =	stream.indirect_vreg.gather [hbm4b:s4+s2], $0x80, v4, vm0, $0xb8;
	[tilespmem:$0xC280] =	vst v63  }
0x183: {  	_ = 	snop  }
0x184: {  	[tilespmem:s25], [sflag:$0x2] =	stream.indirect_vreg.gather [hbm4b:s4+s2], $0x80, v3, vm0, $0xb8;
	[tilespmem:$0xC280] =	vst v63  }
0x185: {  	v3 =	vld [tilespmem:$0x1F0];
	_ =	sdelay $0x4  }
0x186: {  	v55 =	vshll.u32 v3, $0x1  }
0x187: {  	v3 =	vand.u32 $0x7, v3;
	v4 =	vand.u32 $0xFFFFFFF0, v55  }
0x188: {  	v3 =	vor.u32 v3, v4  }
0x189: {  	v4 =	vperm.xlane v3, v0;
	_ =	sdelay $0x1  }
0x18a: {  	v3 =	vperm.xlane v3, v2;
	v4 =	vadd.s32 v1, v4;
	_ =	sdelay $0x1  }
0x18b: {  	v3 =	vadd.s32 v1, v3;
	_ =	sdelay $0x2  }
0x18c: {  	[tilespmem:s26], [sflag:$0x2] =	stream.indirect_vreg.gather [hbm4b:s4+s2], $0x80, v4, vm0, $0xb8;
	[tilespmem:$0xC280] =	vst v63  }
0x18d: {  	_ = 	snop  }
0x18e: {  	[tilespmem:s28], [sflag:$0x2] =	stream.indirect_vreg.gather [hbm4b:s4+s2], $0x80, v3, vm0, $0xb8;
	[tilespmem:$0xC280] =	vst v63  }
0x18f: {  	_ =	swait.ge [sflag:s23], $0x4000  }
0x190: {  	[sflag:s23] =	ssyncset.done $0x0  }
0x191: {  	s18 =	rddreg [dreg:$0x8];
	[sflag:s23] =	ssyncadd.s32 $0xFFFFC000  }
0x192: {  	[hbm4b:s18+s2] =	stream.linear.scatter [tilespmem:s9], [sflag:$0x4], $0x4000, $0x38;
	[tilespmem:$0xC280] =	vst v63  }
0x193: {  	_ =	swait.ge [sflag:s17], $0x4000  }
0x194: {  	[sflag:s17] =	ssyncset.done $0x0  }
0x195: {  	[sflag:s17] =	ssyncadd.s32 $0xFFFFC000  }
0x196: {  	v3 =	vld [tilespmem:$0x200];
	_ =	sdelay $0x4  }
0x197: {  	v56 =	vshll.u32 v3, $0x1  }
0x198: {  	v3 =	vand.u32 $0x7, v3;
	v4 =	vand.u32 $0xFFFFFFF0, v56  }
0x199: {  	v3 =	vor.u32 v3, v4  }
0x19a: {  	v4 =	vperm.xlane v3, v0;
	_ =	sdelay $0x1  }
0x19b: {  	v3 =	vperm.xlane v3, v2;
	v4 =	vadd.s32 v1, v4;
	_ =	sdelay $0x1  }
0x19c: {  	v3 =	vadd.s32 v1, v3;
	_ =	sdelay $0x2  }
0x19d: {  	[tilespmem:s12], [sflag:$0x3] =	stream.indirect_vreg.gather [hbm4b:s4+s2], $0x80, v4, vm0, $0xb8;
	[tilespmem:$0xC280] =	vst v63  }
0x19e: {  	_ = 	snop  }
0x19f: {  	[tilespmem:s29], [sflag:$0x3] =	stream.indirect_vreg.gather [hbm4b:s4+s2], $0x80, v3, vm0, $0xb8;
	[tilespmem:$0xC280] =	vst v63  }
0x1a0: {  	v3 =	vld [tilespmem:$0x210];
	_ =	sdelay $0x4  }
0x1a1: {  	v57 =	vshll.u32 v3, $0x1  }
0x1a2: {  	v3 =	vand.u32 $0x7, v3;
	v4 =	vand.u32 $0xFFFFFFF0, v57  }
0x1a3: {  	v3 =	vor.u32 v3, v4  }
0x1a4: {  	v4 =	vperm.xlane v3, v0;
	_ =	sdelay $0x1  }
0x1a5: {  	v3 =	vperm.xlane v3, v2;
	v4 =	vadd.s32 v1, v4;
	_ =	sdelay $0x1  }
0x1a6: {  	v3 =	vadd.s32 v1, v3;
	_ =	sdelay $0x2  }
0x1a7: {  	[tilespmem:s30], [sflag:$0x3] =	stream.indirect_vreg.gather [hbm4b:s4+s2], $0x80, v4, vm0, $0xb8;
	[tilespmem:$0xC280] =	vst v63  }
0x1a8: {  	_ = 	snop  }
0x1a9: {  	[tilespmem:s31], [sflag:$0x3] =	stream.indirect_vreg.gather [hbm4b:s4+s2], $0x80, v3, vm0, $0xb8;
	[tilespmem:$0xC280] =	vst v63  }
0x1aa: {  	v3 =	vld [tilespmem:$0x220];
	_ =	sdelay $0x4  }
0x1ab: {  	v58 =	vshll.u32 v3, $0x1  }
0x1ac: {  	v3 =	vand.u32 $0x7, v3;
	v4 =	vand.u32 $0xFFFFFFF0, v58  }
0x1ad: {  	v3 =	vor.u32 v3, v4  }
0x1ae: {  	v4 =	vperm.xlane v3, v0;
	_ =	sdelay $0x1  }
0x1af: {  	v3 =	vperm.xlane v3, v2;
	v4 =	vadd.s32 v1, v4;
	_ =	sdelay $0x1  }
0x1b0: {  	v3 =	vadd.s32 v1, v3;
	_ =	sdelay $0x1  }
0x1b1: {  	s1 =	simm.s32 $0xA280  }
0x1b2: {  	[tilespmem:s1], [sflag:$0x3] =	stream.indirect_vreg.gather [hbm4b:s4+s2], $0x80, v4, vm0, $0xb8;
	[tilespmem:$0xC280] =	vst v63  }
0x1b3: {  	_ = 	snop  }
0x1b4: {  	[tilespmem:s8], [sflag:$0x3] =	stream.indirect_vreg.gather [hbm4b:s4+s2], $0x80, v3, vm0, $0xb8;
	[tilespmem:$0xC280] =	vst v63  }
0x1b5: {  	v3 =	vld [tilespmem:$0x230];
	_ =	sdelay $0x4  }
0x1b6: {  	v59 =	vshll.u32 v3, $0x1  }
0x1b7: {  	v3 =	vand.u32 $0x7, v3;
	v4 =	vand.u32 $0xFFFFFFF0, v59  }
0x1b8: {  	v3 =	vor.u32 v3, v4  }
0x1b9: {  	v4 =	vperm.xlane v3, v0;
	_ =	sdelay $0x1  }
0x1ba: {  	v3 =	vperm.xlane v3, v2;
	v4 =	vadd.s32 v1, v4;
	_ =	sdelay $0x1  }
0x1bb: {  	v3 =	vadd.s32 v1, v3;
	_ =	sdelay $0x1  }
0x1bc: {  	s18 =	simm.s32 $0xB280  }
0x1bd: {  	[tilespmem:s18], [sflag:$0x3] =	stream.indirect_vreg.gather [hbm4b:s4+s2], $0x80, v4, vm0, $0xb8;
	[tilespmem:$0xC280] =	vst v63  }
0x1be: {  	_ = 	snop  }
0x1bf: {  	[tilespmem:s10], [sflag:$0x3] =	stream.indirect_vreg.gather [hbm4b:s4+s2], $0x80, v3, vm0, $0xb8;
	[tilespmem:$0xC280] =	vst v63  }
0x1c0: {  	_ =	swait.ge [sflag:s0], $0x4000  }
0x1c1: {  	[sflag:s0] =	ssyncset.done $0x0  }
0x1c2: {  	s8 =	rddreg [dreg:$0x9];
	[sflag:s0] =	ssyncadd.s32 $0xFFFFC000  }
0x1c3: {  	[hbm4b:s8+s2] =	stream.linear.scatter [tilespmem:s24], [sflag:$0x5], $0x4000, $0x38;
	[tilespmem:$0xC280] =	vst v63  }
0x1c4: {  	_ =	swait.ge [sflag:s3], $0x4000  }
0x1c5: {  	[sflag:s3] =	ssyncset.done $0x0  }
0x1c6: {  	[sflag:s3] =	ssyncadd.s32 $0xFFFFC000  }
0x1c7: {  	v3 =	vld [tilespmem:$0x240];
	_ =	sdelay $0x4  }
0x1c8: {  	v60 =	vshll.u32 v3, $0x1  }
0x1c9: {  	v3 =	vand.u32 $0x7, v3;
	v4 =	vand.u32 $0xFFFFFFF0, v60  }
0x1ca: {  	v3 =	vor.u32 v3, v4  }
0x1cb: {  	v4 =	vperm.xlane v3, v0;
	_ =	sdelay $0x1  }
0x1cc: {  	v3 =	vperm.xlane v3, v2;
	v4 =	vadd.s32 v1, v4;
	_ =	sdelay $0x1  }
0x1cd: {  	v3 =	vadd.s32 v1, v3;
	_ =	sdelay $0x2  }
0x1ce: {  	[tilespmem:s9], [sflag:$0x1] =	stream.indirect_vreg.gather [hbm4b:s4+s2], $0x80, v4, vm0, $0xb8;
	[tilespmem:$0xC280] =	vst v63  }
0x1cf: {  	_ = 	snop  }
0x1d0: {  	[tilespmem:s7], [sflag:$0x1] =	stream.indirect_vreg.gather [hbm4b:s4+s2], $0x80, v3, vm0, $0xb8;
	[tilespmem:$0xC280] =	vst v63  }
0x1d1: {  	v3 =	vld [tilespmem:$0x250];
	_ =	sdelay $0x4  }
0x1d2: {  	v61 =	vshll.u32 v3, $0x1  }
0x1d3: {  	v3 =	vand.u32 $0x7, v3;
	v4 =	vand.u32 $0xFFFFFFF0, v61  }
0x1d4: {  	v3 =	vor.u32 v3, v4  }
0x1d5: {  	v4 =	vperm.xlane v3, v0;
	_ =	sdelay $0x1  }
0x1d6: {  	v3 =	vperm.xlane v3, v2;
	v4 =	vadd.s32 v1, v4;
	_ =	sdelay $0x1  }
0x1d7: {  	v3 =	vadd.s32 v1, v3;
	_ =	sdelay $0x1  }
0x1d8: {  	s11 =	simm.s32 $0x1280  }
0x1d9: {  	[tilespmem:s11], [sflag:$0x1] =	stream.indirect_vreg.gather [hbm4b:s4+s2], $0x80, v4, vm0, $0xb8;
	[tilespmem:$0xC280] =	vst v63  }
0x1da: {  	s14 =	simm.s32 $0x1A80  }
0x1db: {  	[tilespmem:s14], [sflag:$0x1] =	stream.indirect_vreg.gather [hbm4b:s4+s2], $0x80, v3, vm0, $0xb8;
	[tilespmem:$0xC280] =	vst v63  }
0x1dc: {  	v3 =	vld [tilespmem:$0x260];
	_ =	sdelay $0x4  }
0x1dd: {  	v62 =	vshll.u32 v3, $0x1  }
0x1de: {  	v3 =	vand.u32 $0x7, v3;
	v4 =	vand.u32 $0xFFFFFFF0, v62  }
0x1df: {  	v3 =	vor.u32 v3, v4  }
0x1e0: {  	v4 =	vperm.xlane v3, v0;
	_ =	sdelay $0x1  }
0x1e1: {  	v3 =	vperm.xlane v3, v2;
	v4 =	vadd.s32 v1, v4;
	_ =	sdelay $0x1  }
0x1e2: {  	v3 =	vadd.s32 v1, v3;
	_ =	sdelay $0x2  }
0x1e3: {  	[tilespmem:s13], [sflag:$0x1] =	stream.indirect_vreg.gather [hbm4b:s4+s2], $0x80, v4, vm0, $0xb8;
	[tilespmem:$0xC280] =	vst v63  }
0x1e4: {  	s15 =	simm.s32 $0x2A80  }
0x1e5: {  	[tilespmem:s15], [sflag:$0x1] =	stream.indirect_vreg.gather [hbm4b:s4+s2], $0x80, v3, vm0, $0xb8;
	[tilespmem:$0xC280] =	vst v63  }
0x1e6: {  	v3 =	vld [tilespmem:$0x270];
	_ =	sdelay $0x4  }
0x1e7: {  	v63 =	vshll.u32 v3, $0x1  }
0x1e8: {  	v3 =	vand.u32 $0x7, v3;
	v4 =	vand.u32 $0xFFFFFFF0, v63  }
0x1e9: {  	v3 =	vor.u32 v3, v4  }
0x1ea: {  	v4 =	vperm.xlane v3, v0;
	_ =	sdelay $0x1  }
0x1eb: {  	v3 =	vperm.xlane v3, v2;
	v4 =	vadd.s32 v1, v4;
	_ =	sdelay $0x1  }
0x1ec: {  	v3 =	vadd.s32 v1, v3;
	_ =	sdelay $0x1  }
0x1ed: {  	s11 =	simm.s32 $0x3280  }
0x1ee: {  	[tilespmem:s11], [sflag:$0x1] =	stream.indirect_vreg.gather [hbm4b:s4+s2], $0x80, v4, vm0, $0xb8;
	[tilespmem:$0xC280] =	vst v63  }
0x1ef: {  	s13 =	simm.s32 $0x3A80  }
0x1f0: {  	[tilespmem:s13], [sflag:$0x1] =	stream.indirect_vreg.gather [hbm4b:s4+s2], $0x80, v3, vm0, $0xb8;
	[tilespmem:$0xC280] =	vst v63  }
0x1f1: {  	_ =	swait.ge [sflag:s6], $0x4000  }
0x1f2: {  	[sflag:s6] =	ssyncset.done $0x0  }
0x1f3: {  	s14 =	rddreg [dreg:$0xa];
	[sflag:s6] =	ssyncadd.s32 $0xFFFFC000  }
0x1f4: {  	[hbm4b:s14+s2] =	stream.linear.scatter [tilespmem:s12], [sflag:$0x6], $0x4000, $0x38;
	[tilespmem:$0xC280] =	vst v63  }
0x1f5: {  	_ =	swait.ge [sflag:s23], $0x4000  }
0x1f6: {  	[sflag:s23] =	ssyncset.done $0x0  }
0x1f7: {  	s15 =	rddreg [dreg:$0xb];
	[sflag:s23] =	ssyncadd.s32 $0xFFFFC000  }
0x1f8: {  	[hbm4b:s15+s2] =	stream.linear.scatter [tilespmem:s9], [sflag:$0x4], $0x4000, $0x38;
	[tilespmem:$0xC280] =	vst v63  }
0x1f9: {  	_ =	swait.ge [sflag:s16], $0x4000  }
0x1fa: {  	[sflag:s16] =	ssyncset.done $0x0  }
0x1fb: {  	[sflag:s16] =	ssyncadd.s32 $0xFFFFC000  }
0x1fc: {  	p0 =	sne.s32 s5, $0x1;
	_ =	swait.ge [sflag:s17], $0x4000  }
.Ltmp0:
0x1fd: {  	[sflag:s17] =	ssyncset.done $0x0;
	(pc) =	sbr.rel @p0 .LBB2_1-.Ltmp0, $4  }
0x1fe: {  	[sflag:s17] =	ssyncadd.s32 $0xFFFFC000  }
0x1ff: {  	_ =	swait.ge [sflag:s3], $0x4000  }
0x200: {  	[sflag:s3] =	ssyncset.done $0x0  }
0x201: {  	s5 =	sadd.s32 $0xFFFFFFFF, s5;
	[sflag:s3] =	ssyncadd.s32 $0xFFFFC000  }
0x202: {  	_ =	sfence.sel $0x180000  }
0x203: {  	[bflag:$0x0] =	sbarrier.arrive $0xFFFF  }
0x204: {  	_ =	strace $0x9000004A  }
0x205: {  	s0 =	stileid.u32;
	[bflag:$0x2] =	sbarrier.arrive $0xFFFF  }
0x206: {  	p0 =	sne.s32 s0, $0x0;
	s0 =	rddreg [dreg:$0x1]  }
0x207: {  	s0 =	sadd.s32 @!p0 $0x100000, s0  }
0x208: {  	[sflag:s0] =	ssyncadd.tile.s32 @!p0 $0x1;
	_ =	shalt  }
.Lfunc_end2:
_tile_overlayer_lowered:
.L_overlay_start_2:
0x209: {  	(tag) =	ssettag $0x2  }
0x20a: {  	s0 =	rddreg [dreg:$0x0];
	s2 =	stileid.u32  }
0x20b: {  	s1 =	rddreg [dreg:$0x1];
	p0 =	sne.s32 s2, $0x0  }
0x20c: {  	s3 =	rddreg [dreg:$0x2];
	[bflag:$0x3] =	sbarrier.arrive $0xFFFF;
	s2 =	simm.s32 @!p0 $0x1C07  }
0x20d: {  	[timem:s3], [sflag:s2] =	dma.local @!p0 [hbm:s0], s1  }
0x20e: {  	s0 =	simm.s32 @!p0 $0x7  }
0x20f: {  	_ =	swait.ge @!p0 [sflag:s0], s1  }
0x210: {  	s1 =	ssub.s32 @!p0 $0x0, s1;
	[sflag:s0] =	ssyncset.done @!p0 $0x0  }
0x211: {  	[sflag:s0] =	ssyncadd.s32 @!p0 s1  }
0x212: {  	[bflag:$0x3] =	sbarrier.arrive $0xFFFF  }
0x213: {  	_ =	shalt  }

</sc_bundles>
